<compile_context>
chip_gen: v7x
topology: tpu7x:2x2x1
jax: 0.10.2.dev20260603
libtpu: 0.0.44.dev20260713+nightly
codegen_flags: <defaults>
</compile_context>

<pallas_src>
import functools

import jax
import jax.numpy as jnp
from jax import lax
from jax.experimental import pallas as pl
from jax.experimental.pallas import tpu as pltpu
from jax.experimental.pallas import tpu_sc as plsc

_TIME = 288
_F = 128
_B = 64
_N = 2048
_NCH = 128
_NW = 32
_B_PER_W = _B // _NW
_FP = _F // 2
_STRIDE = _FP + 1


def _sc_kernel(xd_hbm, xw_hbm, td_hbm, tw_hbm, out_hbm,
               td_v, tw_v, xd_v, xw_v, buf_v, sem):
    wid = lax.axis_index("s") * 2 + lax.axis_index("c")
    pltpu.sync_copy(td_hbm, td_v)
    pltpu.sync_copy(tw_hbm, tw_v)
    n_per_w = _B_PER_W * _N
    pltpu.sync_copy(xd_hbm.at[pl.ds(wid * n_per_w, n_per_w)], xd_v)
    pltpu.sync_copy(xw_hbm.at[pl.ds(wid * n_per_w, n_per_w)], xw_v)
    n_chunks = _N // _NCH
    total_chunks = _B_PER_W * n_chunks

    def chunk_body(c, _):
        b = wid * _B_PER_W + c // n_chunks
        nc = c % n_chunks
        parity = c % 2
        out_slice = out_hbm.at[b, :, pl.ds(nc * _NCH, _NCH)]

        @pl.when(c >= 2)
        def _wait_prev():
            pltpu.make_async_copy(buf_v.at[parity], out_slice, sem).wait()

        d_base = []
        w_base = []
        for j in range(_NCH // 16):
            xdj = xd_v[pl.ds(c * _NCH + j * 16, 16)]
            dij = jnp.clip(xdj * float(_TIME), 0.0, float(_TIME - 1))
            d_base.append(dij.astype(jnp.int32) * _STRIDE)
            xwj = xw_v[pl.ds(c * _NCH + j * 16, 16)]
            wij = jnp.clip(xwj, 0.0, 6.0)
            w_base.append(wij.astype(jnp.int32) * _STRIDE)

        hi_mask = jnp.int32(-65536)

        @plsc.parallel_loop(0, _FP, unroll=2)
        def f_body(fp):
            for j in range(_NCH // 16):
                vd = plsc.load_gather(td_v, [d_base[j] + fp])
                vw = plsc.load_gather(tw_v, [w_base[j] + fp])
                lo = (plsc.bitcast(vd << 16, jnp.float32)
                      + plsc.bitcast(vw << 16, jnp.float32))
                hi = (plsc.bitcast(vd & hi_mask, jnp.float32)
                      + plsc.bitcast(vw & hi_mask, jnp.float32))
                buf_v[parity, 2 * fp, pl.ds(j * 16, 16)] = lo
                buf_v[parity, 2 * fp + 1, pl.ds(j * 16, 16)] = hi

        pltpu.make_async_copy(buf_v.at[parity], out_slice, sem).start()
        return 0

    lax.fori_loop(0, total_chunks, chunk_body, 0, unroll=False)
    for parity in range(2):
        pltpu.make_async_copy(
            buf_v.at[parity],
            out_hbm.at[wid * _B_PER_W, :, pl.ds(0, _NCH)],
            sem,
        ).wait()


@jax.jit
def kernel(x, time_day, time_week):
    xd = x[:, -1, :, 1].reshape(-1)
    xw = x[:, -1, :, 2].reshape(-1)

    def pack(tbl, rows):
        bf = tbl.astype(jnp.bfloat16).reshape(rows, _FP, 2)
        words = lax.bitcast_convert_type(bf, jnp.int32)
        return jnp.pad(words, ((0, 0), (0, _STRIDE - _FP))).reshape(-1)

    td_flat = pack(time_day, _TIME)
    tw_flat = pack(jnp.pad(time_week, ((0, 1), (0, 0))), 8)

    mesh = plsc.VectorSubcoreMesh(
        core_axis_name="c", subcore_axis_name="s", num_cores=2, num_subcores=16
    )
    run = pl.kernel(
        _sc_kernel,
        out_type=jax.ShapeDtypeStruct((_B, _F, _N), jnp.float32),
        mesh=mesh,
        compiler_params=pltpu.CompilerParams(needs_layout_passes=False),
        scratch_types=[
            pltpu.VMEM((_TIME * _STRIDE,), jnp.int32),
            pltpu.VMEM((8 * _STRIDE,), jnp.int32),
            pltpu.VMEM((_B_PER_W * _N,), jnp.float32),
            pltpu.VMEM((_B_PER_W * _N,), jnp.float32),
            pltpu.VMEM((2, _F, _NCH), jnp.float32),
            pltpu.SemaphoreType.DMA,
        ],
    )
    out = run(xd, xw, td_flat, tw_flat)
    return out[..., None]

# --- scband reference (transcript-rebuilt; emitter-appended) ---
"""Pipeline reference for scband-spatio-temporal-embedding-25451976196745 (READ-ONLY COPY).

The authoritative reference and input builder live on the scoring server;
editing this copy changes nothing except your own understanding.
"""

import jax, jax.numpy as jnp
import numpy as np

TIME = 288
FEATURES = 128
B, S, N = 64, 12, 2048


def setup_inputs(seed: int = 0) -> dict:
    key = jax.random.key(seed)
    k1, k2, k3 = jax.random.split(key, 3)
    # x[..., 0] = flow value, x[..., 1] = fractional hour-of-day in [0,1), x[..., 2] = day-of-week in [0,7)
    x = jax.random.uniform(k1, (B, S, N, 3), dtype=jnp.float32)
    x = x.at[..., 2].multiply(7.0)
    bound_d = float(np.sqrt(6.0 / (TIME + FEATURES)))
    time_day = jax.random.uniform(k2, (TIME, FEATURES), minval=-bound_d, maxval=bound_d, dtype=jnp.float32)
    bound_w = float(np.sqrt(6.0 / (7 + FEATURES)))
    time_week = jax.random.uniform(k3, (7, FEATURES), minval=-bound_w, maxval=bound_w, dtype=jnp.float32)
    return {"x": x, "time_day": time_day, "time_week": time_week}


def reference(x, time_day, time_week):
    time = time_day.shape[0]
    day_emb = x[..., 1]
    day_index = jnp.clip(day_emb[:, -1, :] * time, 0, time - 1).astype(jnp.int32)  # [B, N]
    td = jnp.take(time_day, day_index, axis=0)          # [B, N, F]
    td = jnp.transpose(td, (0, 2, 1))[..., None]         # [B, F, N, 1]
    week_emb = x[..., 2]
    week_index = jnp.clip(week_emb[:, -1, :], 0, 6).astype(jnp.int32)  # [B, N]
    tw = jnp.take(time_week, week_index, axis=0)         # [B, N, F]
    tw = jnp.transpose(tw, (0, 2, 1))[..., None]         # [B, F, N, 1]
    return td + tw

if __name__ == "__main__":
    import jax
    _d = setup_inputs()
    print(jax.jit(kernel)(*tuple(_d.values())))

</pallas_src>

<mosaic_0001>
#map = affine_map<(d0, d1) -> (0)>
#map1 = affine_map<(d0, d1) -> (0, 0, 0)>
module attributes {stable_mosaic.version = 14 : i64} {
  func.func @_sc_kernel(%arg0: i32, %arg1: i32, %arg2: memref<131072xf32, #tpu.memory_space<hbm>>, %arg3: memref<131072xf32, #tpu.memory_space<hbm>>, %arg4: memref<18720xi32, #tpu.memory_space<hbm>>, %arg5: memref<520xi32, #tpu.memory_space<hbm>>, %arg6: memref<64x128x2048xf32, #tpu.memory_space<hbm>>, %arg7: memref<18720xi32, #tpu.memory_space<vmem>>, %arg8: memref<520xi32, #tpu.memory_space<vmem>>, %arg9: memref<4096xf32, #tpu.memory_space<vmem>>, %arg10: memref<4096xf32, #tpu.memory_space<vmem>>, %arg11: memref<2x128x128xf32, #tpu.memory_space<vmem>>, %arg12: memref<!tpu.dma_semaphore, #tpu.memory_space<semaphore_mem>>) attributes {dimension_semantics = [#tpu.dimension_semantics<core_parallel>, #tpu.dimension_semantics<subcore_parallel>], iteration_bounds = array<i64: 2, 16>, scalar_prefetch = 0 : i64, scratch_operands = 6 : i64, tpu.core_type = #tpu.core_type<sc_vector_subcore>, window_params = [{transform_indices = #map}, {transform_indices = #map}, {transform_indices = #map}, {transform_indices = #map}, {transform_indices = #map1}]} {
    %mul3A = arith.constant 2 : i32
    %mul3A_0 = arith.muli %arg1, %mul3A : i32
    %add3A = arith.addi %mul3A_0, %arg0 : i32
    "tpu.region"() ({
      %run_scoped3A = tpu.sem_alloc : memref<!tpu.dma_semaphore, #tpu.memory_space<semaphore_mem>>
      tpu.enqueue_dma source(%arg4 : memref<18720xi32, #tpu.memory_space<hbm>>) target(%arg7 : memref<18720xi32, #tpu.memory_space<vmem>>) target_semaphore(%run_scoped3A : memref<!tpu.dma_semaphore, #tpu.memory_space<semaphore_mem>>)
      tpu.wait_dma2 semaphore(%run_scoped3A : memref<!tpu.dma_semaphore, #tpu.memory_space<semaphore_mem>>) src(%arg4 : memref<18720xi32, #tpu.memory_space<hbm>>) dst(%arg7 : memref<18720xi32, #tpu.memory_space<vmem>>)
      tpu.yield
    }) : () -> ()
    "tpu.region"() ({
      %run_scoped3A = tpu.sem_alloc : memref<!tpu.dma_semaphore, #tpu.memory_space<semaphore_mem>>
      tpu.enqueue_dma source(%arg5 : memref<520xi32, #tpu.memory_space<hbm>>) target(%arg8 : memref<520xi32, #tpu.memory_space<vmem>>) target_semaphore(%run_scoped3A : memref<!tpu.dma_semaphore, #tpu.memory_space<semaphore_mem>>)
      tpu.wait_dma2 semaphore(%run_scoped3A : memref<!tpu.dma_semaphore, #tpu.memory_space<semaphore_mem>>) src(%arg5 : memref<520xi32, #tpu.memory_space<hbm>>) dst(%arg8 : memref<520xi32, #tpu.memory_space<vmem>>)
      tpu.yield
    }) : () -> ()
    %mul3A_1 = arith.constant 4096 : i32
    %mul3A_2 = arith.muli %add3A, %mul3A_1 : i32
    "tpu.region"() ({
      %run_scoped3A = tpu.sem_alloc : memref<!tpu.dma_semaphore, #tpu.memory_space<semaphore_mem>>
      %dma_start3A = tpu.memref_slice %arg2[%mul3A_2] : memref<131072xf32, #tpu.memory_space<hbm>> -> memref<4096xf32, #tpu.memory_space<hbm>>
      %dma_start3A_48 = tpu.memref_slice %arg2[%mul3A_2] : memref<131072xf32, #tpu.memory_space<hbm>> -> memref<4096xf32, #tpu.memory_space<hbm>>
      tpu.enqueue_dma source(%dma_start3A_48 : memref<4096xf32, #tpu.memory_space<hbm>>) target(%arg9 : memref<4096xf32, #tpu.memory_space<vmem>>) target_semaphore(%run_scoped3A : memref<!tpu.dma_semaphore, #tpu.memory_space<semaphore_mem>>)
      %dma_wait3A_49 = tpu.memref_slice %arg2[%mul3A_2] : memref<131072xf32, #tpu.memory_space<hbm>> -> memref<4096xf32, #tpu.memory_space<hbm>>
      %dma_wait3A_50 = tpu.memref_slice %arg2[%mul3A_2] : memref<131072xf32, #tpu.memory_space<hbm>> -> memref<4096xf32, #tpu.memory_space<hbm>>
      tpu.wait_dma2 semaphore(%run_scoped3A : memref<!tpu.dma_semaphore, #tpu.memory_space<semaphore_mem>>) src(%dma_wait3A_50 : memref<4096xf32, #tpu.memory_space<hbm>>) dst(%arg9 : memref<4096xf32, #tpu.memory_space<vmem>>)
      tpu.yield
    }) : () -> ()
    %mul3A_3 = arith.constant 4096 : i32
    %mul3A_4 = arith.muli %add3A, %mul3A_3 : i32
    "tpu.region"() ({
      %run_scoped3A = tpu.sem_alloc : memref<!tpu.dma_semaphore, #tpu.memory_space<semaphore_mem>>
      %dma_start3A = tpu.memref_slice %arg3[%mul3A_4] : memref<131072xf32, #tpu.memory_space<hbm>> -> memref<4096xf32, #tpu.memory_space<hbm>>
      %dma_start3A_48 = tpu.memref_slice %arg3[%mul3A_4] : memref<131072xf32, #tpu.memory_space<hbm>> -> memref<4096xf32, #tpu.memory_space<hbm>>
      tpu.enqueue_dma source(%dma_start3A_48 : memref<4096xf32, #tpu.memory_space<hbm>>) target(%arg10 : memref<4096xf32, #tpu.memory_space<vmem>>) target_semaphore(%run_scoped3A : memref<!tpu.dma_semaphore, #tpu.memory_space<semaphore_mem>>)
      %dma_wait3A_49 = tpu.memref_slice %arg3[%mul3A_4] : memref<131072xf32, #tpu.memory_space<hbm>> -> memref<4096xf32, #tpu.memory_space<hbm>>
      %dma_wait3A_50 = tpu.memref_slice %arg3[%mul3A_4] : memref<131072xf32, #tpu.memory_space<hbm>> -> memref<4096xf32, #tpu.memory_space<hbm>>
      tpu.wait_dma2 semaphore(%run_scoped3A : memref<!tpu.dma_semaphore, #tpu.memory_space<semaphore_mem>>) src(%dma_wait3A_50 : memref<4096xf32, #tpu.memory_space<hbm>>) dst(%arg10 : memref<4096xf32, #tpu.memory_space<vmem>>)
      tpu.yield
    }) : () -> ()
    %scan3A = arith.constant 0 : i32
    %scan3A_5 = arith.constant 0 : i32
    %scan3A_6 = arith.constant 32 : i32
    %scan3A_7 = arith.addi %scan3A_5, %scan3A_6 : i32
    %scan3A_8 = arith.constant 1 : i32
    %scan3A_9 = scf.for %scan3A_48 = %scan3A_5 to %scan3A_7 step %scan3A_8 iter_args(%scan3A_49 = %scan3A) -> (i32)  : i32 {
      %mul3A_50 = arith.constant 2 : i32
      %mul3A_51 = arith.muli %add3A, %mul3A_50 : i32
      %jit3A = arith.constant 16 : i32
      %div3A = arith.divsi %scan3A_48, %jit3A : i32
      %sign3A = arith.constant 0 : i32
      %sign3A_52 = arith.cmpi sgt, %scan3A_48, %sign3A : i32
      %sign3A_53 = arith.extui %sign3A_52 : i1 to i32
      %sign3A_54 = arith.constant 0 : i32
      %sign3A_55 = arith.cmpi slt, %scan3A_48, %sign3A_54 : i32
      %sign3A_56 = arith.extui %sign3A_55 : i1 to i32
      %sign3A_57 = arith.subi %sign3A_53, %sign3A_56 : i32
      %sign3A_58 = arith.constant 0 : i32
      %sign3A_59 = arith.cmpi sgt, %jit3A, %sign3A_58 : i32
      %sign3A_60 = arith.extui %sign3A_59 : i1 to i32
      %sign3A_61 = arith.constant 0 : i32
      %sign3A_62 = arith.cmpi slt, %jit3A, %sign3A_61 : i32
      %sign3A_63 = arith.extui %sign3A_62 : i1 to i32
      %sign3A_64 = arith.subi %sign3A_60, %sign3A_63 : i32
      %ne3A = arith.cmpi ne, %sign3A_57, %sign3A_64 : i32
      %rem3A = arith.remsi %scan3A_48, %jit3A : i32
      %ne3A_65 = arith.constant 0 : i32
      %ne3A_66 = arith.cmpi ne, %rem3A, %ne3A_65 : i32
      %and3A = arith.andi %ne3A, %ne3A_66 : i1
      %sub3A = arith.constant 1 : i32
      %sub3A_67 = arith.subi %div3A, %sub3A : i32
      %select_n3A = arith.select %and3A, %sub3A_67, %div3A : i32
      %add3A_68 = arith.addi %mul3A_51, %select_n3A : i32
      %jit3A_69 = arith.constant 16 : i32
      %eq3A = arith.constant 0 : i32
      %eq3A_70 = arith.cmpi eq, %jit3A_69, %eq3A : i32
      %jit3A_71 = arith.constant 1 : i32
      %select_n3A_72 = arith.select %eq3A_70, %jit3A_71, %jit3A_69 : i32
      %rem3A_73 = arith.remsi %scan3A_48, %select_n3A_72 : i32
      %ne3A_74 = arith.constant 0 : i32
      %ne3A_75 = arith.cmpi ne, %rem3A_73, %ne3A_74 : i32
      %lt3A = arith.constant 0 : i32
      %lt3A_76 = arith.cmpi slt, %rem3A_73, %lt3A : i32
      %lt3A_77 = arith.constant 0 : i32
      %lt3A_78 = arith.cmpi slt, %select_n3A_72, %lt3A_77 : i32
      %ne3A_79 = arith.xori %lt3A_76, %lt3A_78 : i1
      %and3A_80 = arith.andi %ne3A_79, %ne3A_75 : i1
      %add3A_81 = arith.addi %rem3A_73, %select_n3A_72 : i32
      %select_n3A_82 = arith.select %and3A_80, %add3A_81, %rem3A_73 : i32
      %jit3A_83 = arith.constant 2 : i32
      %eq3A_84 = arith.constant 0 : i32
      %eq3A_85 = arith.cmpi eq, %jit3A_83, %eq3A_84 : i32
      %jit3A_86 = arith.constant 1 : i32
      %select_n3A_87 = arith.select %eq3A_85, %jit3A_86, %jit3A_83 : i32
      %rem3A_88 = arith.remsi %scan3A_48, %select_n3A_87 : i32
      %ne3A_89 = arith.constant 0 : i32
      %ne3A_90 = arith.cmpi ne, %rem3A_88, %ne3A_89 : i32
      %lt3A_91 = arith.constant 0 : i32
      %lt3A_92 = arith.cmpi slt, %rem3A_88, %lt3A_91 : i32
      %lt3A_93 = arith.constant 0 : i32
      %lt3A_94 = arith.cmpi slt, %select_n3A_87, %lt3A_93 : i32
      %ne3A_95 = arith.xori %lt3A_92, %lt3A_94 : i1
      %and3A_96 = arith.andi %ne3A_95, %ne3A_90 : i1
      %add3A_97 = arith.addi %rem3A_88, %select_n3A_87 : i32
      %select_n3A_98 = arith.select %and3A_96, %add3A_97, %rem3A_88 : i32
      %mul3A_99 = arith.constant 128 : i32
      %mul3A_100 = arith.muli %select_n3A_82, %mul3A_99 : i32
      %ge3A = arith.constant 2 : i32
      %ge3A_101 = arith.cmpi sge, %scan3A_48, %ge3A : i32
      %convert_element_type3A = arith.extui %ge3A_101 : i1 to i32
      %cond3A = arith.constant 0 : i32
      %cond3A_102 = arith.cmpi ne, %convert_element_type3A, %cond3A : i32
      scf.if %cond3A_102 {
        %dma_wait3A_397 = arith.constant 0 : i32
        %dma_wait3A_398 = arith.constant 0 : i32
        %dma_wait3A_399 = tpu.memref_slice %arg11[%select_n3A_98, %dma_wait3A_397, %dma_wait3A_398] : memref<2x128x128xf32, #tpu.memory_space<vmem>> -> memref<1x128x128xf32, #tpu.memory_space<vmem>>
        %dma_wait3A_400 = tpu.memref_squeeze %dma_wait3A_399 : memref<1x128x128xf32, #tpu.memory_space<vmem>> -> memref<128x128xf32, #tpu.memory_space<vmem>>
        %dma_wait3A_401 = arith.constant 0 : i32
        %dma_wait3A_402 = tpu.memref_slice %arg6[%add3A_68, %dma_wait3A_401, %mul3A_100] : memref<64x128x2048xf32, #tpu.memory_space<hbm>> -> memref<1x128x128xf32, #tpu.memory_space<hbm>>
        %dma_wait3A_403 = tpu.memref_squeeze %dma_wait3A_402 : memref<1x128x128xf32, #tpu.memory_space<hbm>> -> memref<128x128xf32, #tpu.memory_space<hbm>>
        %dma_wait3A_404 = arith.constant 0 : i32
        %dma_wait3A_405 = tpu.memref_slice %arg6[%add3A_68, %dma_wait3A_404, %mul3A_100] : memref<64x128x2048xf32, #tpu.memory_space<hbm>> -> memref<1x128x128xf32, #tpu.memory_space<hbm>>
        %dma_wait3A_406 = tpu.memref_squeeze %dma_wait3A_405 : memref<1x128x128xf32, #tpu.memory_space<hbm>> -> memref<128x128xf32, #tpu.memory_space<hbm>>
        %dma_wait3A_407 = arith.constant 0 : i32
        %dma_wait3A_408 = arith.constant 0 : i32
        %dma_wait3A_409 = tpu.memref_slice %arg11[%select_n3A_98, %dma_wait3A_407, %dma_wait3A_408] : memref<2x128x128xf32, #tpu.memory_space<vmem>> -> memref<1x128x128xf32, #tpu.memory_space<vmem>>
        %dma_wait3A_410 = tpu.memref_squeeze %dma_wait3A_409 : memref<1x128x128xf32, #tpu.memory_space<vmem>> -> memref<128x128xf32, #tpu.memory_space<vmem>>
        tpu.wait_dma2 semaphore(%arg12 : memref<!tpu.dma_semaphore, #tpu.memory_space<semaphore_mem>>) src(%dma_wait3A_410 : memref<128x128xf32, #tpu.memory_space<vmem>>) dst(%dma_wait3A_406 : memref<128x128xf32, #tpu.memory_space<hbm>>)
      } else {
      }
      %mul3A_103 = arith.constant 128 : i32
      %mul3A_104 = arith.muli %scan3A_48, %mul3A_103 : i32
      %add3A_105 = arith.constant 0 : i32
      %add3A_106 = arith.addi %mul3A_104, %add3A_105 : i32
      %get3A = arith.index_cast %add3A_106 : i32 to index
      %get3A_107 = tpu.vector_load %arg9[%get3A] {strides = array<i32>} : memref<4096xf32, #tpu.memory_space<vmem>>, vector<16xf32>,
      %mul3A_108 = arith.constant 2.880000e+02 : f32
      %mul3A_109 = vector.broadcast %mul3A_108 : f32 to vector<16xf32>
      %mul3A_110 = arith.mulf %get3A_107, %mul3A_109 : vector<16xf32>
      %jit3A_111 = arith.constant 0.000000e+00 : f32
      %jit3A_112 = arith.constant 2.870000e+02 : f32
      %max3A = vector.broadcast %jit3A_111 : f32 to vector<16xf32>
      %max3A_113 = arith.maximumf %max3A, %mul3A_110 : vector<16xf32>
      %min3A = vector.broadcast %jit3A_112 : f32 to vector<16xf32>
      %min3A_114 = arith.minimumf %min3A, %max3A_113 : vector<16xf32>
      %convert_element_type3A_115 = arith.fptosi %min3A_114 : vector<16xf32> to vector<16xi32>
      %mul3A_116 = arith.constant 65 : i32
      %mul3A_117 = vector.broadcast %mul3A_116 : i32 to vector<16xi32>
      %mul3A_118 = arith.muli %convert_element_type3A_115, %mul3A_117 : vector<16xi32>
      %mul3A_119 = arith.constant 128 : i32
      %mul3A_120 = arith.muli %scan3A_48, %mul3A_119 : i32
      %add3A_121 = arith.constant 0 : i32
      %add3A_122 = arith.addi %mul3A_120, %add3A_121 : i32
      %get3A_123 = arith.index_cast %add3A_122 : i32 to index
      %get3A_124 = tpu.vector_load %arg10[%get3A_123] {strides = array<i32>} : memref<4096xf32, #tpu.memory_space<vmem>>, vector<16xf32>,
      %jit3A_125 = arith.constant 0.000000e+00 : f32
      %jit3A_126 = arith.constant 6.000000e+00 : f32
      %max3A_127 = vector.broadcast %jit3A_125 : f32 to vector<16xf32>
      %max3A_128 = arith.maximumf %max3A_127, %get3A_124 : vector<16xf32>
      %min3A_129 = vector.broadcast %jit3A_126 : f32 to vector<16xf32>
      %min3A_130 = arith.minimumf %min3A_129, %max3A_128 : vector<16xf32>
      %convert_element_type3A_131 = arith.fptosi %min3A_130 : vector<16xf32> to vector<16xi32>
      %mul3A_132 = arith.constant 65 : i32
      %mul3A_133 = vector.broadcast %mul3A_132 : i32 to vector<16xi32>
      %mul3A_134 = arith.muli %convert_element_type3A_131, %mul3A_133 : vector<16xi32>
      %mul3A_135 = arith.constant 128 : i32
      %mul3A_136 = arith.muli %scan3A_48, %mul3A_135 : i32
      %add3A_137 = arith.constant 16 : i32
      %add3A_138 = arith.addi %mul3A_136, %add3A_137 : i32
      %get3A_139 = arith.index_cast %add3A_138 : i32 to index
      %get3A_140 = tpu.vector_load %arg9[%get3A_139] {strides = array<i32>} : memref<4096xf32, #tpu.memory_space<vmem>>, vector<16xf32>,
      %mul3A_141 = arith.constant 2.880000e+02 : f32
      %mul3A_142 = vector.broadcast %mul3A_141 : f32 to vector<16xf32>
      %mul3A_143 = arith.mulf %get3A_140, %mul3A_142 : vector<16xf32>
      %jit3A_144 = arith.constant 0.000000e+00 : f32
      %jit3A_145 = arith.constant 2.870000e+02 : f32
      %max3A_146 = vector.broadcast %jit3A_144 : f32 to vector<16xf32>
      %max3A_147 = arith.maximumf %max3A_146, %mul3A_143 : vector<16xf32>
      %min3A_148 = vector.broadcast %jit3A_145 : f32 to vector<16xf32>
      %min3A_149 = arith.minimumf %min3A_148, %max3A_147 : vector<16xf32>
      %convert_element_type3A_150 = arith.fptosi %min3A_149 : vector<16xf32> to vector<16xi32>
      %mul3A_151 = arith.constant 65 : i32
      %mul3A_152 = vector.broadcast %mul3A_151 : i32 to vector<16xi32>
      %mul3A_153 = arith.muli %convert_element_type3A_150, %mul3A_152 : vector<16xi32>
      %mul3A_154 = arith.constant 128 : i32
      %mul3A_155 = arith.muli %scan3A_48, %mul3A_154 : i32
      %add3A_156 = arith.constant 16 : i32
      %add3A_157 = arith.addi %mul3A_155, %add3A_156 : i32
      %get3A_158 = arith.index_cast %add3A_157 : i32 to index
      %get3A_159 = tpu.vector_load %arg10[%get3A_158] {strides = array<i32>} : memref<4096xf32, #tpu.memory_space<vmem>>, vector<16xf32>,
      %jit3A_160 = arith.constant 0.000000e+00 : f32
      %jit3A_161 = arith.constant 6.000000e+00 : f32
      %max3A_162 = vector.broadcast %jit3A_160 : f32 to vector<16xf32>
      %max3A_163 = arith.maximumf %max3A_162, %get3A_159 : vector<16xf32>
      %min3A_164 = vector.broadcast %jit3A_161 : f32 to vector<16xf32>
      %min3A_165 = arith.minimumf %min3A_164, %max3A_163 : vector<16xf32>
      %convert_element_type3A_166 = arith.fptosi %min3A_165 : vector<16xf32> to vector<16xi32>
      %mul3A_167 = arith.constant 65 : i32
      %mul3A_168 = vector.broadcast %mul3A_167 : i32 to vector<16xi32>
      %mul3A_169 = arith.muli %convert_element_type3A_166, %mul3A_168 : vector<16xi32>
      %mul3A_170 = arith.constant 128 : i32
      %mul3A_171 = arith.muli %scan3A_48, %mul3A_170 : i32
      %add3A_172 = arith.constant 32 : i32
      %add3A_173 = arith.addi %mul3A_171, %add3A_172 : i32
      %get3A_174 = arith.index_cast %add3A_173 : i32 to index
      %get3A_175 = tpu.vector_load %arg9[%get3A_174] {strides = array<i32>} : memref<4096xf32, #tpu.memory_space<vmem>>, vector<16xf32>,
      %mul3A_176 = arith.constant 2.880000e+02 : f32
      %mul3A_177 = vector.broadcast %mul3A_176 : f32 to vector<16xf32>
      %mul3A_178 = arith.mulf %get3A_175, %mul3A_177 : vector<16xf32>
      %jit3A_179 = arith.constant 0.000000e+00 : f32
      %jit3A_180 = arith.constant 2.870000e+02 : f32
      %max3A_181 = vector.broadcast %jit3A_179 : f32 to vector<16xf32>
      %max3A_182 = arith.maximumf %max3A_181, %mul3A_178 : vector<16xf32>
      %min3A_183 = vector.broadcast %jit3A_180 : f32 to vector<16xf32>
      %min3A_184 = arith.minimumf %min3A_183, %max3A_182 : vector<16xf32>
      %convert_element_type3A_185 = arith.fptosi %min3A_184 : vector<16xf32> to vector<16xi32>
      %mul3A_186 = arith.constant 65 : i32
      %mul3A_187 = vector.broadcast %mul3A_186 : i32 to vector<16xi32>
      %mul3A_188 = arith.muli %convert_element_type3A_185, %mul3A_187 : vector<16xi32>
      %mul3A_189 = arith.constant 128 : i32
      %mul3A_190 = arith.muli %scan3A_48, %mul3A_189 : i32
      %add3A_191 = arith.constant 32 : i32
      %add3A_192 = arith.addi %mul3A_190, %add3A_191 : i32
      %get3A_193 = arith.index_cast %add3A_192 : i32 to index
      %get3A_194 = tpu.vector_load %arg10[%get3A_193] {strides = array<i32>} : memref<4096xf32, #tpu.memory_space<vmem>>, vector<16xf32>,
      %jit3A_195 = arith.constant 0.000000e+00 : f32
      %jit3A_196 = arith.constant 6.000000e+00 : f32
      %max3A_197 = vector.broadcast %jit3A_195 : f32 to vector<16xf32>
      %max3A_198 = arith.maximumf %max3A_197, %get3A_194 : vector<16xf32>
      %min3A_199 = vector.broadcast %jit3A_196 : f32 to vector<16xf32>
      %min3A_200 = arith.minimumf %min3A_199, %max3A_198 : vector<16xf32>
      %convert_element_type3A_201 = arith.fptosi %min3A_200 : vector<16xf32> to vector<16xi32>
      %mul3A_202 = arith.constant 65 : i32
      %mul3A_203 = vector.broadcast %mul3A_202 : i32 to vector<16xi32>
      %mul3A_204 = arith.muli %convert_element_type3A_201, %mul3A_203 : vector<16xi32>
      %mul3A_205 = arith.constant 128 : i32
      %mul3A_206 = arith.muli %scan3A_48, %mul3A_205 : i32
      %add3A_207 = arith.constant 48 : i32
      %add3A_208 = arith.addi %mul3A_206, %add3A_207 : i32
      %get3A_209 = arith.index_cast %add3A_208 : i32 to index
      %get3A_210 = tpu.vector_load %arg9[%get3A_209] {strides = array<i32>} : memref<4096xf32, #tpu.memory_space<vmem>>, vector<16xf32>,
      %mul3A_211 = arith.constant 2.880000e+02 : f32
      %mul3A_212 = vector.broadcast %mul3A_211 : f32 to vector<16xf32>
      %mul3A_213 = arith.mulf %get3A_210, %mul3A_212 : vector<16xf32>
      %jit3A_214 = arith.constant 0.000000e+00 : f32
      %jit3A_215 = arith.constant 2.870000e+02 : f32
      %max3A_216 = vector.broadcast %jit3A_214 : f32 to vector<16xf32>
      %max3A_217 = arith.maximumf %max3A_216, %mul3A_213 : vector<16xf32>
      %min3A_218 = vector.broadcast %jit3A_215 : f32 to vector<16xf32>
      %min3A_219 = arith.minimumf %min3A_218, %max3A_217 : vector<16xf32>
      %convert_element_type3A_220 = arith.fptosi %min3A_219 : vector<16xf32> to vector<16xi32>
      %mul3A_221 = arith.constant 65 : i32
      %mul3A_222 = vector.broadcast %mul3A_221 : i32 to vector<16xi32>
      %mul3A_223 = arith.muli %convert_element_type3A_220, %mul3A_222 : vector<16xi32>
      %mul3A_224 = arith.constant 128 : i32
      %mul3A_225 = arith.muli %scan3A_48, %mul3A_224 : i32
      %add3A_226 = arith.constant 48 : i32
      %add3A_227 = arith.addi %mul3A_225, %add3A_226 : i32
      %get3A_228 = arith.index_cast %add3A_227 : i32 to index
      %get3A_229 = tpu.vector_load %arg10[%get3A_228] {strides = array<i32>} : memref<4096xf32, #tpu.memory_space<vmem>>, vector<16xf32>,
      %jit3A_230 = arith.constant 0.000000e+00 : f32
      %jit3A_231 = arith.constant 6.000000e+00 : f32
      %max3A_232 = vector.broadcast %jit3A_230 : f32 to vector<16xf32>
      %max3A_233 = arith.maximumf %max3A_232, %get3A_229 : vector<16xf32>
      %min3A_234 = vector.broadcast %jit3A_231 : f32 to vector<16xf32>
      %min3A_235 = arith.minimumf %min3A_234, %max3A_233 : vector<16xf32>
      %convert_element_type3A_236 = arith.fptosi %min3A_235 : vector<16xf32> to vector<16xi32>
      %mul3A_237 = arith.constant 65 : i32
      %mul3A_238 = vector.broadcast %mul3A_237 : i32 to vector<16xi32>
      %mul3A_239 = arith.muli %convert_element_type3A_236, %mul3A_238 : vector<16xi32>
      %mul3A_240 = arith.constant 128 : i32
      %mul3A_241 = arith.muli %scan3A_48, %mul3A_240 : i32
      %add3A_242 = arith.constant 64 : i32
      %add3A_243 = arith.addi %mul3A_241, %add3A_242 : i32
      %get3A_244 = arith.index_cast %add3A_243 : i32 to index
      %get3A_245 = tpu.vector_load %arg9[%get3A_244] {strides = array<i32>} : memref<4096xf32, #tpu.memory_space<vmem>>, vector<16xf32>,
      %mul3A_246 = arith.constant 2.880000e+02 : f32
      %mul3A_247 = vector.broadcast %mul3A_246 : f32 to vector<16xf32>
      %mul3A_248 = arith.mulf %get3A_245, %mul3A_247 : vector<16xf32>
      %jit3A_249 = arith.constant 0.000000e+00 : f32
      %jit3A_250 = arith.constant 2.870000e+02 : f32
      %max3A_251 = vector.broadcast %jit3A_249 : f32 to vector<16xf32>
      %max3A_252 = arith.maximumf %max3A_251, %mul3A_248 : vector<16xf32>
      %min3A_253 = vector.broadcast %jit3A_250 : f32 to vector<16xf32>
      %min3A_254 = arith.minimumf %min3A_253, %max3A_252 : vector<16xf32>
      %convert_element_type3A_255 = arith.fptosi %min3A_254 : vector<16xf32> to vector<16xi32>
      %mul3A_256 = arith.constant 65 : i32
      %mul3A_257 = vector.broadcast %mul3A_256 : i32 to vector<16xi32>
      %mul3A_258 = arith.muli %convert_element_type3A_255, %mul3A_257 : vector<16xi32>
      %mul3A_259 = arith.constant 128 : i32
      %mul3A_260 = arith.muli %scan3A_48, %mul3A_259 : i32
      %add3A_261 = arith.constant 64 : i32
      %add3A_262 = arith.addi %mul3A_260, %add3A_261 : i32
      %get3A_263 = arith.index_cast %add3A_262 : i32 to index
      %get3A_264 = tpu.vector_load %arg10[%get3A_263] {strides = array<i32>} : memref<4096xf32, #tpu.memory_space<vmem>>, vector<16xf32>,
      %jit3A_265 = arith.constant 0.000000e+00 : f32
      %jit3A_266 = arith.constant 6.000000e+00 : f32
      %max3A_267 = vector.broadcast %jit3A_265 : f32 to vector<16xf32>
      %max3A_268 = arith.maximumf %max3A_267, %get3A_264 : vector<16xf32>
      %min3A_269 = vector.broadcast %jit3A_266 : f32 to vector<16xf32>
      %min3A_270 = arith.minimumf %min3A_269, %max3A_268 : vector<16xf32>
      %convert_element_type3A_271 = arith.fptosi %min3A_270 : vector<16xf32> to vector<16xi32>
      %mul3A_272 = arith.constant 65 : i32
      %mul3A_273 = vector.broadcast %mul3A_272 : i32 to vector<16xi32>
      %mul3A_274 = arith.muli %convert_element_type3A_271, %mul3A_273 : vector<16xi32>
      %mul3A_275 = arith.constant 128 : i32
      %mul3A_276 = arith.muli %scan3A_48, %mul3A_275 : i32
      %add3A_277 = arith.constant 80 : i32
      %add3A_278 = arith.addi %mul3A_276, %add3A_277 : i32
      %get3A_279 = arith.index_cast %add3A_278 : i32 to index
      %get3A_280 = tpu.vector_load %arg9[%get3A_279] {strides = array<i32>} : memref<4096xf32, #tpu.memory_space<vmem>>, vector<16xf32>,
      %mul3A_281 = arith.constant 2.880000e+02 : f32
      %mul3A_282 = vector.broadcast %mul3A_281 : f32 to vector<16xf32>
      %mul3A_283 = arith.mulf %get3A_280, %mul3A_282 : vector<16xf32>
      %jit3A_284 = arith.constant 0.000000e+00 : f32
      %jit3A_285 = arith.constant 2.870000e+02 : f32
      %max3A_286 = vector.broadcast %jit3A_284 : f32 to vector<16xf32>
      %max3A_287 = arith.maximumf %max3A_286, %mul3A_283 : vector<16xf32>
      %min3A_288 = vector.broadcast %jit3A_285 : f32 to vector<16xf32>
      %min3A_289 = arith.minimumf %min3A_288, %max3A_287 : vector<16xf32>
      %convert_element_type3A_290 = arith.fptosi %min3A_289 : vector<16xf32> to vector<16xi32>
      %mul3A_291 = arith.constant 65 : i32
      %mul3A_292 = vector.broadcast %mul3A_291 : i32 to vector<16xi32>
      %mul3A_293 = arith.muli %convert_element_type3A_290, %mul3A_292 : vector<16xi32>
      %mul3A_294 = arith.constant 128 : i32
      %mul3A_295 = arith.muli %scan3A_48, %mul3A_294 : i32
      %add3A_296 = arith.constant 80 : i32
      %add3A_297 = arith.addi %mul3A_295, %add3A_296 : i32
      %get3A_298 = arith.index_cast %add3A_297 : i32 to index
      %get3A_299 = tpu.vector_load %arg10[%get3A_298] {strides = array<i32>} : memref<4096xf32, #tpu.memory_space<vmem>>, vector<16xf32>,
      %jit3A_300 = arith.constant 0.000000e+00 : f32
      %jit3A_301 = arith.constant 6.000000e+00 : f32
      %max3A_302 = vector.broadcast %jit3A_300 : f32 to vector<16xf32>
      %max3A_303 = arith.maximumf %max3A_302, %get3A_299 : vector<16xf32>
      %min3A_304 = vector.broadcast %jit3A_301 : f32 to vector<16xf32>
      %min3A_305 = arith.minimumf %min3A_304, %max3A_303 : vector<16xf32>
      %convert_element_type3A_306 = arith.fptosi %min3A_305 : vector<16xf32> to vector<16xi32>
      %mul3A_307 = arith.constant 65 : i32
      %mul3A_308 = vector.broadcast %mul3A_307 : i32 to vector<16xi32>
      %mul3A_309 = arith.muli %convert_element_type3A_306, %mul3A_308 : vector<16xi32>
      %mul3A_310 = arith.constant 128 : i32
      %mul3A_311 = arith.muli %scan3A_48, %mul3A_310 : i32
      %add3A_312 = arith.constant 96 : i32
      %add3A_313 = arith.addi %mul3A_311, %add3A_312 : i32
      %get3A_314 = arith.index_cast %add3A_313 : i32 to index
      %get3A_315 = tpu.vector_load %arg9[%get3A_314] {strides = array<i32>} : memref<4096xf32, #tpu.memory_space<vmem>>, vector<16xf32>,
      %mul3A_316 = arith.constant 2.880000e+02 : f32
      %mul3A_317 = vector.broadcast %mul3A_316 : f32 to vector<16xf32>
      %mul3A_318 = arith.mulf %get3A_315, %mul3A_317 : vector<16xf32>
      %jit3A_319 = arith.constant 0.000000e+00 : f32
      %jit3A_320 = arith.constant 2.870000e+02 : f32
      %max3A_321 = vector.broadcast %jit3A_319 : f32 to vector<16xf32>
      %max3A_322 = arith.maximumf %max3A_321, %mul3A_318 : vector<16xf32>
      %min3A_323 = vector.broadcast %jit3A_320 : f32 to vector<16xf32>
      %min3A_324 = arith.minimumf %min3A_323, %max3A_322 : vector<16xf32>
      %convert_element_type3A_325 = arith.fptosi %min3A_324 : vector<16xf32> to vector<16xi32>
      %mul3A_326 = arith.constant 65 : i32
      %mul3A_327 = vector.broadcast %mul3A_326 : i32 to vector<16xi32>
      %mul3A_328 = arith.muli %convert_element_type3A_325, %mul3A_327 : vector<16xi32>
      %mul3A_329 = arith.constant 128 : i32
      %mul3A_330 = arith.muli %scan3A_48, %mul3A_329 : i32
      %add3A_331 = arith.constant 96 : i32
      %add3A_332 = arith.addi %mul3A_330, %add3A_331 : i32
      %get3A_333 = arith.index_cast %add3A_332 : i32 to index
      %get3A_334 = tpu.vector_load %arg10[%get3A_333] {strides = array<i32>} : memref<4096xf32, #tpu.memory_space<vmem>>, vector<16xf32>,
      %jit3A_335 = arith.constant 0.000000e+00 : f32
      %jit3A_336 = arith.constant 6.000000e+00 : f32
      %max3A_337 = vector.broadcast %jit3A_335 : f32 to vector<16xf32>
      %max3A_338 = arith.maximumf %max3A_337, %get3A_334 : vector<16xf32>
      %min3A_339 = vector.broadcast %jit3A_336 : f32 to vector<16xf32>
      %min3A_340 = arith.minimumf %min3A_339, %max3A_338 : vector<16xf32>
      %convert_element_type3A_341 = arith.fptosi %min3A_340 : vector<16xf32> to vector<16xi32>
      %mul3A_342 = arith.constant 65 : i32
      %mul3A_343 = vector.broadcast %mul3A_342 : i32 to vector<16xi32>
      %mul3A_344 = arith.muli %convert_element_type3A_341, %mul3A_343 : vector<16xi32>
      %mul3A_345 = arith.constant 128 : i32
      %mul3A_346 = arith.muli %scan3A_48, %mul3A_345 : i32
      %add3A_347 = arith.constant 112 : i32
      %add3A_348 = arith.addi %mul3A_346, %add3A_347 : i32
      %get3A_349 = arith.index_cast %add3A_348 : i32 to index
      %get3A_350 = tpu.vector_load %arg9[%get3A_349] {strides = array<i32>} : memref<4096xf32, #tpu.memory_space<vmem>>, vector<16xf32>,
      %mul3A_351 = arith.constant 2.880000e+02 : f32
      %mul3A_352 = vector.broadcast %mul3A_351 : f32 to vector<16xf32>
      %mul3A_353 = arith.mulf %get3A_350, %mul3A_352 : vector<16xf32>
      %jit3A_354 = arith.constant 0.000000e+00 : f32
      %jit3A_355 = arith.constant 2.870000e+02 : f32
      %max3A_356 = vector.broadcast %jit3A_354 : f32 to vector<16xf32>
      %max3A_357 = arith.maximumf %max3A_356, %mul3A_353 : vector<16xf32>
      %min3A_358 = vector.broadcast %jit3A_355 : f32 to vector<16xf32>
      %min3A_359 = arith.minimumf %min3A_358, %max3A_357 : vector<16xf32>
      %convert_element_type3A_360 = arith.fptosi %min3A_359 : vector<16xf32> to vector<16xi32>
      %mul3A_361 = arith.constant 65 : i32
      %mul3A_362 = vector.broadcast %mul3A_361 : i32 to vector<16xi32>
      %mul3A_363 = arith.muli %convert_element_type3A_360, %mul3A_362 : vector<16xi32>
      %mul3A_364 = arith.constant 128 : i32
      %mul3A_365 = arith.muli %scan3A_48, %mul3A_364 : i32
      %add3A_366 = arith.constant 112 : i32
      %add3A_367 = arith.addi %mul3A_365, %add3A_366 : i32
      %get3A_368 = arith.index_cast %add3A_367 : i32 to index
      %get3A_369 = tpu.vector_load %arg10[%get3A_368] {strides = array<i32>} : memref<4096xf32, #tpu.memory_space<vmem>>, vector<16xf32>,
      %jit3A_370 = arith.constant 0.000000e+00 : f32
      %jit3A_371 = arith.constant 6.000000e+00 : f32
      %max3A_372 = vector.broadcast %jit3A_370 : f32 to vector<16xf32>
      %max3A_373 = arith.maximumf %max3A_372, %get3A_369 : vector<16xf32>
      %min3A_374 = vector.broadcast %jit3A_371 : f32 to vector<16xf32>
      %min3A_375 = arith.minimumf %min3A_374, %max3A_373 : vector<16xf32>
      %convert_element_type3A_376 = arith.fptosi %min3A_375 : vector<16xf32> to vector<16xi32>
      %mul3A_377 = arith.constant 65 : i32
      %mul3A_378 = vector.broadcast %mul3A_377 : i32 to vector<16xi32>
      %mul3A_379 = arith.muli %convert_element_type3A_376, %mul3A_378 : vector<16xi32>
      %parallel_loop3A = arith.constant 0 : i32
      %parallel_loop3A_380 = arith.constant 64 : i32
      %parallel_loop3A_381 = arith.constant 1 : i32
      %parallel_loop3A_382 = arith.constant -65536 : i32
      scf.for %parallel_loop3A_397 = %parallel_loop3A to %parallel_loop3A_380 step %parallel_loop3A_381  : i32 {
        %parallel_loop3A_398 = vector.broadcast %parallel_loop3A_397 : i32 to vector<16xi32>
        %parallel_loop3A_399 = arith.addi %mul3A_118, %parallel_loop3A_398 : vector<16xi32>
        %parallel_loop3A_400 = tpu.vector_load_idx %arg7[%parallel_loop3A_399] : memref<18720xi32, #tpu.memory_space<vmem>>[vector<16xi32>], vector<16xi32>,
        %parallel_loop3A_401 = vector.broadcast %parallel_loop3A_397 : i32 to vector<16xi32>
        %parallel_loop3A_402 = arith.addi %mul3A_134, %parallel_loop3A_401 : vector<16xi32>
        %parallel_loop3A_403 = tpu.vector_load_idx %arg8[%parallel_loop3A_402] : memref<520xi32, #tpu.memory_space<vmem>>[vector<16xi32>], vector<16xi32>,
        %parallel_loop3A_404 = arith.constant 16 : i32
        %parallel_loop3A_405 = vector.broadcast %parallel_loop3A_404 : i32 to vector<16xi32>
        %parallel_loop3A_406 = arith.shli %parallel_loop3A_400, %parallel_loop3A_405 : vector<16xi32>
        %parallel_loop3A_407 = vector.bitcast %parallel_loop3A_406 : vector<16xi32> to vector<16xf32>
        %parallel_loop3A_408 = arith.constant 16 : i32
        %parallel_loop3A_409 = vector.broadcast %parallel_loop3A_408 : i32 to vector<16xi32>
        %parallel_loop3A_410 = arith.shli %parallel_loop3A_403, %parallel_loop3A_409 : vector<16xi32>
        %parallel_loop3A_411 = vector.bitcast %parallel_loop3A_410 : vector<16xi32> to vector<16xf32>
        %parallel_loop3A_412 = arith.addf %parallel_loop3A_407, %parallel_loop3A_411 : vector<16xf32>
        %parallel_loop3A_413 = vector.broadcast %parallel_loop3A_382 : i32 to vector<16xi32>
        %parallel_loop3A_414 = arith.andi %parallel_loop3A_400, %parallel_loop3A_413 : vector<16xi32>
        %parallel_loop3A_415 = vector.bitcast %parallel_loop3A_414 : vector<16xi32> to vector<16xf32>
        %parallel_loop3A_416 = vector.broadcast %parallel_loop3A_382 : i32 to vector<16xi32>
        %parallel_loop3A_417 = arith.andi %parallel_loop3A_403, %parallel_loop3A_416 : vector<16xi32>
        %parallel_loop3A_418 = vector.bitcast %parallel_loop3A_417 : vector<16xi32> to vector<16xf32>
        %parallel_loop3A_419 = arith.addf %parallel_loop3A_415, %parallel_loop3A_418 : vector<16xf32>
        %parallel_loop3A_420 = arith.constant 2 : i32
        %parallel_loop3A_421 = arith.muli %parallel_loop3A_420, %parallel_loop3A_397 : i32
        %parallel_loop3A_422 = arith.index_cast %select_n3A_98 : i32 to index
        %parallel_loop3A_423 = arith.index_cast %parallel_loop3A_421 : i32 to index
        %parallel_loop3A_424 = arith.constant 0 : index
        %parallel_loop3A_425 = tpu.vector_load %arg11[%parallel_loop3A_422, %parallel_loop3A_423, %parallel_loop3A_424] {strides = array<i32>} : memref<2x128x128xf32, #tpu.memory_space<vmem>>, vector<16xf32>,
        tpu.vector_store %arg11[%parallel_loop3A_422, %parallel_loop3A_423, %parallel_loop3A_424], %parallel_loop3A_412 {strides = array<i32>} : memref<2x128x128xf32, #tpu.memory_space<vmem>>, vector<16xf32>,
        %parallel_loop3A_426 = arith.constant 2 : i32
        %parallel_loop3A_427 = arith.muli %parallel_loop3A_426, %parallel_loop3A_397 : i32
        %parallel_loop3A_428 = arith.constant 1 : i32
        %parallel_loop3A_429 = arith.addi %parallel_loop3A_427, %parallel_loop3A_428 : i32
        %parallel_loop3A_430 = arith.index_cast %select_n3A_98 : i32 to index
        %parallel_loop3A_431 = arith.index_cast %parallel_loop3A_429 : i32 to index
        %parallel_loop3A_432 = arith.constant 0 : index
        %parallel_loop3A_433 = tpu.vector_load %arg11[%parallel_loop3A_430, %parallel_loop3A_431, %parallel_loop3A_432] {strides = array<i32>} : memref<2x128x128xf32, #tpu.memory_space<vmem>>, vector<16xf32>,
        tpu.vector_store %arg11[%parallel_loop3A_430, %parallel_loop3A_431, %parallel_loop3A_432], %parallel_loop3A_419 {strides = array<i32>} : memref<2x128x128xf32, #tpu.memory_space<vmem>>, vector<16xf32>,
        %parallel_loop3A_434 = vector.broadcast %parallel_loop3A_397 : i32 to vector<16xi32>
        %parallel_loop3A_435 = arith.addi %mul3A_153, %parallel_loop3A_434 : vector<16xi32>
        %parallel_loop3A_436 = tpu.vector_load_idx %arg7[%parallel_loop3A_435] : memref<18720xi32, #tpu.memory_space<vmem>>[vector<16xi32>], vector<16xi32>,
        %parallel_loop3A_437 = vector.broadcast %parallel_loop3A_397 : i32 to vector<16xi32>
        %parallel_loop3A_438 = arith.addi %mul3A_169, %parallel_loop3A_437 : vector<16xi32>
        %parallel_loop3A_439 = tpu.vector_load_idx %arg8[%parallel_loop3A_438] : memref<520xi32, #tpu.memory_space<vmem>>[vector<16xi32>], vector<16xi32>,
        %parallel_loop3A_440 = arith.constant 16 : i32
        %parallel_loop3A_441 = vector.broadcast %parallel_loop3A_440 : i32 to vector<16xi32>
        %parallel_loop3A_442 = arith.shli %parallel_loop3A_436, %parallel_loop3A_441 : vector<16xi32>
        %parallel_loop3A_443 = vector.bitcast %parallel_loop3A_442 : vector<16xi32> to vector<16xf32>
        %parallel_loop3A_444 = arith.constant 16 : i32
        %parallel_loop3A_445 = vector.broadcast %parallel_loop3A_444 : i32 to vector<16xi32>
        %parallel_loop3A_446 = arith.shli %parallel_loop3A_439, %parallel_loop3A_445 : vector<16xi32>
        %parallel_loop3A_447 = vector.bitcast %parallel_loop3A_446 : vector<16xi32> to vector<16xf32>
        %parallel_loop3A_448 = arith.addf %parallel_loop3A_443, %parallel_loop3A_447 : vector<16xf32>
        %parallel_loop3A_449 = vector.broadcast %parallel_loop3A_382 : i32 to vector<16xi32>
        %parallel_loop3A_450 = arith.andi %parallel_loop3A_436, %parallel_loop3A_449 : vector<16xi32>
        %parallel_loop3A_451 = vector.bitcast %parallel_loop3A_450 : vector<16xi32> to vector<16xf32>
        %parallel_loop3A_452 = vector.broadcast %parallel_loop3A_382 : i32 to vector<16xi32>
        %parallel_loop3A_453 = arith.andi %parallel_loop3A_439, %parallel_loop3A_452 : vector<16xi32>
        %parallel_loop3A_454 = vector.bitcast %parallel_loop3A_453 : vector<16xi32> to vector<16xf32>
        %parallel_loop3A_455 = arith.addf %parallel_loop3A_451, %parallel_loop3A_454 : vector<16xf32>
        %parallel_loop3A_456 = arith.constant 2 : i32
        %parallel_loop3A_457 = arith.muli %parallel_loop3A_456, %parallel_loop3A_397 : i32
        %parallel_loop3A_458 = arith.index_cast %select_n3A_98 : i32 to index
        %parallel_loop3A_459 = arith.index_cast %parallel_loop3A_457 : i32 to index
        %parallel_loop3A_460 = arith.constant 16 : index
        %parallel_loop3A_461 = tpu.vector_load %arg11[%parallel_loop3A_458, %parallel_loop3A_459, %parallel_loop3A_460] {strides = array<i32>} : memref<2x128x128xf32, #tpu.memory_space<vmem>>, vector<16xf32>,
        tpu.vector_store %arg11[%parallel_loop3A_458, %parallel_loop3A_459, %parallel_loop3A_460], %parallel_loop3A_448 {strides = array<i32>} : memref<2x128x128xf32, #tpu.memory_space<vmem>>, vector<16xf32>,
        %parallel_loop3A_462 = arith.constant 2 : i32
        %parallel_loop3A_463 = arith.muli %parallel_loop3A_462, %parallel_loop3A_397 : i32
        %parallel_loop3A_464 = arith.constant 1 : i32
        %parallel_loop3A_465 = arith.addi %parallel_loop3A_463, %parallel_loop3A_464 : i32
        %parallel_loop3A_466 = arith.index_cast %select_n3A_98 : i32 to index
        %parallel_loop3A_467 = arith.index_cast %parallel_loop3A_465 : i32 to index
        %parallel_loop3A_468 = arith.constant 16 : index
        %parallel_loop3A_469 = tpu.vector_load %arg11[%parallel_loop3A_466, %parallel_loop3A_467, %parallel_loop3A_468] {strides = array<i32>} : memref<2x128x128xf32, #tpu.memory_space<vmem>>, vector<16xf32>,
        tpu.vector_store %arg11[%parallel_loop3A_466, %parallel_loop3A_467, %parallel_loop3A_468], %parallel_loop3A_455 {strides = array<i32>} : memref<2x128x128xf32, #tpu.memory_space<vmem>>, vector<16xf32>,
        %parallel_loop3A_470 = vector.broadcast %parallel_loop3A_397 : i32 to vector<16xi32>
        %parallel_loop3A_471 = arith.addi %mul3A_188, %parallel_loop3A_470 : vector<16xi32>
        %parallel_loop3A_472 = tpu.vector_load_idx %arg7[%parallel_loop3A_471] : memref<18720xi32, #tpu.memory_space<vmem>>[vector<16xi32>], vector<16xi32>,
        %parallel_loop3A_473 = vector.broadcast %parallel_loop3A_397 : i32 to vector<16xi32>
        %parallel_loop3A_474 = arith.addi %mul3A_204, %parallel_loop3A_473 : vector<16xi32>
        %parallel_loop3A_475 = tpu.vector_load_idx %arg8[%parallel_loop3A_474] : memref<520xi32, #tpu.memory_space<vmem>>[vector<16xi32>], vector<16xi32>,
        %parallel_loop3A_476 = arith.constant 16 : i32
        %parallel_loop3A_477 = vector.broadcast %parallel_loop3A_476 : i32 to vector<16xi32>
        %parallel_loop3A_478 = arith.shli %parallel_loop3A_472, %parallel_loop3A_477 : vector<16xi32>
        %parallel_loop3A_479 = vector.bitcast %parallel_loop3A_478 : vector<16xi32> to vector<16xf32>
        %parallel_loop3A_480 = arith.constant 16 : i32
        %parallel_loop3A_481 = vector.broadcast %parallel_loop3A_480 : i32 to vector<16xi32>
        %parallel_loop3A_482 = arith.shli %parallel_loop3A_475, %parallel_loop3A_481 : vector<16xi32>
        %parallel_loop3A_483 = vector.bitcast %parallel_loop3A_482 : vector<16xi32> to vector<16xf32>
        %parallel_loop3A_484 = arith.addf %parallel_loop3A_479, %parallel_loop3A_483 : vector<16xf32>
        %parallel_loop3A_485 = vector.broadcast %parallel_loop3A_382 : i32 to vector<16xi32>
        %parallel_loop3A_486 = arith.andi %parallel_loop3A_472, %parallel_loop3A_485 : vector<16xi32>
        %parallel_loop3A_487 = vector.bitcast %parallel_loop3A_486 : vector<16xi32> to vector<16xf32>
        %parallel_loop3A_488 = vector.broadcast %parallel_loop3A_382 : i32 to vector<16xi32>
        %parallel_loop3A_489 = arith.andi %parallel_loop3A_475, %parallel_loop3A_488 : vector<16xi32>
        %parallel_loop3A_490 = vector.bitcast %parallel_loop3A_489 : vector<16xi32> to vector<16xf32>
        %parallel_loop3A_491 = arith.addf %parallel_loop3A_487, %parallel_loop3A_490 : vector<16xf32>
        %parallel_loop3A_492 = arith.constant 2 : i32
        %parallel_loop3A_493 = arith.muli %parallel_loop3A_492, %parallel_loop3A_397 : i32
        %parallel_loop3A_494 = arith.index_cast %select_n3A_98 : i32 to index
        %parallel_loop3A_495 = arith.index_cast %parallel_loop3A_493 : i32 to index
        %parallel_loop3A_496 = arith.constant 32 : index
        %parallel_loop3A_497 = tpu.vector_load %arg11[%parallel_loop3A_494, %parallel_loop3A_495, %parallel_loop3A_496] {strides = array<i32>} : memref<2x128x128xf32, #tpu.memory_space<vmem>>, vector<16xf32>,
        tpu.vector_store %arg11[%parallel_loop3A_494, %parallel_loop3A_495, %parallel_loop3A_496], %parallel_loop3A_484 {strides = array<i32>} : memref<2x128x128xf32, #tpu.memory_space<vmem>>, vector<16xf32>,
        %parallel_loop3A_498 = arith.constant 2 : i32
        %parallel_loop3A_499 = arith.muli %parallel_loop3A_498, %parallel_loop3A_397 : i32
        %parallel_loop3A_500 = arith.constant 1 : i32
        %parallel_loop3A_501 = arith.addi %parallel_loop3A_499, %parallel_loop3A_500 : i32
        %parallel_loop3A_502 = arith.index_cast %select_n3A_98 : i32 to index
        %parallel_loop3A_503 = arith.index_cast %parallel_loop3A_501 : i32 to index
        %parallel_loop3A_504 = arith.constant 32 : index
        %parallel_loop3A_505 = tpu.vector_load %arg11[%parallel_loop3A_502, %parallel_loop3A_503, %parallel_loop3A_504] {strides = array<i32>} : memref<2x128x128xf32, #tpu.memory_space<vmem>>, vector<16xf32>,
        tpu.vector_store %arg11[%parallel_loop3A_502, %parallel_loop3A_503, %parallel_loop3A_504], %parallel_loop3A_491 {strides = array<i32>} : memref<2x128x128xf32, #tpu.memory_space<vmem>>, vector<16xf32>,
        %parallel_loop3A_506 = vector.broadcast %parallel_loop3A_397 : i32 to vector<16xi32>
        %parallel_loop3A_507 = arith.addi %mul3A_223, %parallel_loop3A_506 : vector<16xi32>
        %parallel_loop3A_508 = tpu.vector_load_idx %arg7[%parallel_loop3A_507] : memref<18720xi32, #tpu.memory_space<vmem>>[vector<16xi32>], vector<16xi32>,
        %parallel_loop3A_509 = vector.broadcast %parallel_loop3A_397 : i32 to vector<16xi32>
        %parallel_loop3A_510 = arith.addi %mul3A_239, %parallel_loop3A_509 : vector<16xi32>
        %parallel_loop3A_511 = tpu.vector_load_idx %arg8[%parallel_loop3A_510] : memref<520xi32, #tpu.memory_space<vmem>>[vector<16xi32>], vector<16xi32>,
        %parallel_loop3A_512 = arith.constant 16 : i32
        %parallel_loop3A_513 = vector.broadcast %parallel_loop3A_512 : i32 to vector<16xi32>
        %parallel_loop3A_514 = arith.shli %parallel_loop3A_508, %parallel_loop3A_513 : vector<16xi32>
        %parallel_loop3A_515 = vector.bitcast %parallel_loop3A_514 : vector<16xi32> to vector<16xf32>
        %parallel_loop3A_516 = arith.constant 16 : i32
        %parallel_loop3A_517 = vector.broadcast %parallel_loop3A_516 : i32 to vector<16xi32>
        %parallel_loop3A_518 = arith.shli %parallel_loop3A_511, %parallel_loop3A_517 : vector<16xi32>
        %parallel_loop3A_519 = vector.bitcast %parallel_loop3A_518 : vector<16xi32> to vector<16xf32>
        %parallel_loop3A_520 = arith.addf %parallel_loop3A_515, %parallel_loop3A_519 : vector<16xf32>
        %parallel_loop3A_521 = vector.broadcast %parallel_loop3A_382 : i32 to vector<16xi32>
        %parallel_loop3A_522 = arith.andi %parallel_loop3A_508, %parallel_loop3A_521 : vector<16xi32>
        %parallel_loop3A_523 = vector.bitcast %parallel_loop3A_522 : vector<16xi32> to vector<16xf32>
        %parallel_loop3A_524 = vector.broadcast %parallel_loop3A_382 : i32 to vector<16xi32>
        %parallel_loop3A_525 = arith.andi %parallel_loop3A_511, %parallel_loop3A_524 : vector<16xi32>
        %parallel_loop3A_526 = vector.bitcast %parallel_loop3A_525 : vector<16xi32> to vector<16xf32>
        %parallel_loop3A_527 = arith.addf %parallel_loop3A_523, %parallel_loop3A_526 : vector<16xf32>
        %parallel_loop3A_528 = arith.constant 2 : i32
        %parallel_loop3A_529 = arith.muli %parallel_loop3A_528, %parallel_loop3A_397 : i32
        %parallel_loop3A_530 = arith.index_cast %select_n3A_98 : i32 to index
        %parallel_loop3A_531 = arith.index_cast %parallel_loop3A_529 : i32 to index
        %parallel_loop3A_532 = arith.constant 48 : index
        %parallel_loop3A_533 = tpu.vector_load %arg11[%parallel_loop3A_530, %parallel_loop3A_531, %parallel_loop3A_532] {strides = array<i32>} : memref<2x128x128xf32, #tpu.memory_space<vmem>>, vector<16xf32>,
        tpu.vector_store %arg11[%parallel_loop3A_530, %parallel_loop3A_531, %parallel_loop3A_532], %parallel_loop3A_520 {strides = array<i32>} : memref<2x128x128xf32, #tpu.memory_space<vmem>>, vector<16xf32>,
        %parallel_loop3A_534 = arith.constant 2 : i32
        %parallel_loop3A_535 = arith.muli %parallel_loop3A_534, %parallel_loop3A_397 : i32
        %parallel_loop3A_536 = arith.constant 1 : i32
        %parallel_loop3A_537 = arith.addi %parallel_loop3A_535, %parallel_loop3A_536 : i32
        %parallel_loop3A_538 = arith.index_cast %select_n3A_98 : i32 to index
        %parallel_loop3A_539 = arith.index_cast %parallel_loop3A_537 : i32 to index
        %parallel_loop3A_540 = arith.constant 48 : index
        %parallel_loop3A_541 = tpu.vector_load %arg11[%parallel_loop3A_538, %parallel_loop3A_539, %parallel_loop3A_540] {strides = array<i32>} : memref<2x128x128xf32, #tpu.memory_space<vmem>>, vector<16xf32>,
        tpu.vector_store %arg11[%parallel_loop3A_538, %parallel_loop3A_539, %parallel_loop3A_540], %parallel_loop3A_527 {strides = array<i32>} : memref<2x128x128xf32, #tpu.memory_space<vmem>>, vector<16xf32>,
        %parallel_loop3A_542 = vector.broadcast %parallel_loop3A_397 : i32 to vector<16xi32>
        %parallel_loop3A_543 = arith.addi %mul3A_258, %parallel_loop3A_542 : vector<16xi32>
        %parallel_loop3A_544 = tpu.vector_load_idx %arg7[%parallel_loop3A_543] : memref<18720xi32, #tpu.memory_space<vmem>>[vector<16xi32>], vector<16xi32>,
        %parallel_loop3A_545 = vector.broadcast %parallel_loop3A_397 : i32 to vector<16xi32>
        %parallel_loop3A_546 = arith.addi %mul3A_274, %parallel_loop3A_545 : vector<16xi32>
        %parallel_loop3A_547 = tpu.vector_load_idx %arg8[%parallel_loop3A_546] : memref<520xi32, #tpu.memory_space<vmem>>[vector<16xi32>], vector<16xi32>,
        %parallel_loop3A_548 = arith.constant 16 : i32
        %parallel_loop3A_549 = vector.broadcast %parallel_loop3A_548 : i32 to vector<16xi32>
        %parallel_loop3A_550 = arith.shli %parallel_loop3A_544, %parallel_loop3A_549 : vector<16xi32>
        %parallel_loop3A_551 = vector.bitcast %parallel_loop3A_550 : vector<16xi32> to vector<16xf32>
        %parallel_loop3A_552 = arith.constant 16 : i32
        %parallel_loop3A_553 = vector.broadcast %parallel_loop3A_552 : i32 to vector<16xi32>
        %parallel_loop3A_554 = arith.shli %parallel_loop3A_547, %parallel_loop3A_553 : vector<16xi32>
        %parallel_loop3A_555 = vector.bitcast %parallel_loop3A_554 : vector<16xi32> to vector<16xf32>
        %parallel_loop3A_556 = arith.addf %parallel_loop3A_551, %parallel_loop3A_555 : vector<16xf32>
        %parallel_loop3A_557 = vector.broadcast %parallel_loop3A_382 : i32 to vector<16xi32>
        %parallel_loop3A_558 = arith.andi %parallel_loop3A_544, %parallel_loop3A_557 : vector<16xi32>
        %parallel_loop3A_559 = vector.bitcast %parallel_loop3A_558 : vector<16xi32> to vector<16xf32>
        %parallel_loop3A_560 = vector.broadcast %parallel_loop3A_382 : i32 to vector<16xi32>
        %parallel_loop3A_561 = arith.andi %parallel_loop3A_547, %parallel_loop3A_560 : vector<16xi32>
        %parallel_loop3A_562 = vector.bitcast %parallel_loop3A_561 : vector<16xi32> to vector<16xf32>
        %parallel_loop3A_563 = arith.addf %parallel_loop3A_559, %parallel_loop3A_562 : vector<16xf32>
        %parallel_loop3A_564 = arith.constant 2 : i32
        %parallel_loop3A_565 = arith.muli %parallel_loop3A_564, %parallel_loop3A_397 : i32
        %parallel_loop3A_566 = arith.index_cast %select_n3A_98 : i32 to index
        %parallel_loop3A_567 = arith.index_cast %parallel_loop3A_565 : i32 to index
        %parallel_loop3A_568 = arith.constant 64 : index
        %parallel_loop3A_569 = tpu.vector_load %arg11[%parallel_loop3A_566, %parallel_loop3A_567, %parallel_loop3A_568] {strides = array<i32>} : memref<2x128x128xf32, #tpu.memory_space<vmem>>, vector<16xf32>,
        tpu.vector_store %arg11[%parallel_loop3A_566, %parallel_loop3A_567, %parallel_loop3A_568], %parallel_loop3A_556 {strides = array<i32>} : memref<2x128x128xf32, #tpu.memory_space<vmem>>, vector<16xf32>,
        %parallel_loop3A_570 = arith.constant 2 : i32
        %parallel_loop3A_571 = arith.muli %parallel_loop3A_570, %parallel_loop3A_397 : i32
        %parallel_loop3A_572 = arith.constant 1 : i32
        %parallel_loop3A_573 = arith.addi %parallel_loop3A_571, %parallel_loop3A_572 : i32
        %parallel_loop3A_574 = arith.index_cast %select_n3A_98 : i32 to index
        %parallel_loop3A_575 = arith.index_cast %parallel_loop3A_573 : i32 to index
        %parallel_loop3A_576 = arith.constant 64 : index
        %parallel_loop3A_577 = tpu.vector_load %arg11[%parallel_loop3A_574, %parallel_loop3A_575, %parallel_loop3A_576] {strides = array<i32>} : memref<2x128x128xf32, #tpu.memory_space<vmem>>, vector<16xf32>,
        tpu.vector_store %arg11[%parallel_loop3A_574, %parallel_loop3A_575, %parallel_loop3A_576], %parallel_loop3A_563 {strides = array<i32>} : memref<2x128x128xf32, #tpu.memory_space<vmem>>, vector<16xf32>,
        %parallel_loop3A_578 = vector.broadcast %parallel_loop3A_397 : i32 to vector<16xi32>
        %parallel_loop3A_579 = arith.addi %mul3A_293, %parallel_loop3A_578 : vector<16xi32>
        %parallel_loop3A_580 = tpu.vector_load_idx %arg7[%parallel_loop3A_579] : memref<18720xi32, #tpu.memory_space<vmem>>[vector<16xi32>], vector<16xi32>,
        %parallel_loop3A_581 = vector.broadcast %parallel_loop3A_397 : i32 to vector<16xi32>
        %parallel_loop3A_582 = arith.addi %mul3A_309, %parallel_loop3A_581 : vector<16xi32>
        %parallel_loop3A_583 = tpu.vector_load_idx %arg8[%parallel_loop3A_582] : memref<520xi32, #tpu.memory_space<vmem>>[vector<16xi32>], vector<16xi32>,
        %parallel_loop3A_584 = arith.constant 16 : i32
        %parallel_loop3A_585 = vector.broadcast %parallel_loop3A_584 : i32 to vector<16xi32>
        %parallel_loop3A_586 = arith.shli %parallel_loop3A_580, %parallel_loop3A_585 : vector<16xi32>
        %parallel_loop3A_587 = vector.bitcast %parallel_loop3A_586 : vector<16xi32> to vector<16xf32>
        %parallel_loop3A_588 = arith.constant 16 : i32
        %parallel_loop3A_589 = vector.broadcast %parallel_loop3A_588 : i32 to vector<16xi32>
        %parallel_loop3A_590 = arith.shli %parallel_loop3A_583, %parallel_loop3A_589 : vector<16xi32>
        %parallel_loop3A_591 = vector.bitcast %parallel_loop3A_590 : vector<16xi32> to vector<16xf32>
        %parallel_loop3A_592 = arith.addf %parallel_loop3A_587, %parallel_loop3A_591 : vector<16xf32>
        %parallel_loop3A_593 = vector.broadcast %parallel_loop3A_382 : i32 to vector<16xi32>
        %parallel_loop3A_594 = arith.andi %parallel_loop3A_580, %parallel_loop3A_593 : vector<16xi32>
        %parallel_loop3A_595 = vector.bitcast %parallel_loop3A_594 : vector<16xi32> to vector<16xf32>
        %parallel_loop3A_596 = vector.broadcast %parallel_loop3A_382 : i32 to vector<16xi32>
        %parallel_loop3A_597 = arith.andi %parallel_loop3A_583, %parallel_loop3A_596 : vector<16xi32>
        %parallel_loop3A_598 = vector.bitcast %parallel_loop3A_597 : vector<16xi32> to vector<16xf32>
        %parallel_loop3A_599 = arith.addf %parallel_loop3A_595, %parallel_loop3A_598 : vector<16xf32>
        %parallel_loop3A_600 = arith.constant 2 : i32
        %parallel_loop3A_601 = arith.muli %parallel_loop3A_600, %parallel_loop3A_397 : i32
        %parallel_loop3A_602 = arith.index_cast %select_n3A_98 : i32 to index
        %parallel_loop3A_603 = arith.index_cast %parallel_loop3A_601 : i32 to index
        %parallel_loop3A_604 = arith.constant 80 : index
        %parallel_loop3A_605 = tpu.vector_load %arg11[%parallel_loop3A_602, %parallel_loop3A_603, %parallel_loop3A_604] {strides = array<i32>} : memref<2x128x128xf32, #tpu.memory_space<vmem>>, vector<16xf32>,
        tpu.vector_store %arg11[%parallel_loop3A_602, %parallel_loop3A_603, %parallel_loop3A_604], %parallel_loop3A_592 {strides = array<i32>} : memref<2x128x128xf32, #tpu.memory_space<vmem>>, vector<16xf32>,
        %parallel_loop3A_606 = arith.constant 2 : i32
        %parallel_loop3A_607 = arith.muli %parallel_loop3A_606, %parallel_loop3A_397 : i32
        %parallel_loop3A_608 = arith.constant 1 : i32
        %parallel_loop3A_609 = arith.addi %parallel_loop3A_607, %parallel_loop3A_608 : i32
        %parallel_loop3A_610 = arith.index_cast %select_n3A_98 : i32 to index
        %parallel_loop3A_611 = arith.index_cast %parallel_loop3A_609 : i32 to index
        %parallel_loop3A_612 = arith.constant 80 : index
        %parallel_loop3A_613 = tpu.vector_load %arg11[%parallel_loop3A_610, %parallel_loop3A_611, %parallel_loop3A_612] {strides = array<i32>} : memref<2x128x128xf32, #tpu.memory_space<vmem>>, vector<16xf32>,
        tpu.vector_store %arg11[%parallel_loop3A_610, %parallel_loop3A_611, %parallel_loop3A_612], %parallel_loop3A_599 {strides = array<i32>} : memref<2x128x128xf32, #tpu.memory_space<vmem>>, vector<16xf32>,
        %parallel_loop3A_614 = vector.broadcast %parallel_loop3A_397 : i32 to vector<16xi32>
        %parallel_loop3A_615 = arith.addi %mul3A_328, %parallel_loop3A_614 : vector<16xi32>
        %parallel_loop3A_616 = tpu.vector_load_idx %arg7[%parallel_loop3A_615] : memref<18720xi32, #tpu.memory_space<vmem>>[vector<16xi32>], vector<16xi32>,
        %parallel_loop3A_617 = vector.broadcast %parallel_loop3A_397 : i32 to vector<16xi32>
        %parallel_loop3A_618 = arith.addi %mul3A_344, %parallel_loop3A_617 : vector<16xi32>
        %parallel_loop3A_619 = tpu.vector_load_idx %arg8[%parallel_loop3A_618] : memref<520xi32, #tpu.memory_space<vmem>>[vector<16xi32>], vector<16xi32>,
        %parallel_loop3A_620 = arith.constant 16 : i32
        %parallel_loop3A_621 = vector.broadcast %parallel_loop3A_620 : i32 to vector<16xi32>
        %parallel_loop3A_622 = arith.shli %parallel_loop3A_616, %parallel_loop3A_621 : vector<16xi32>
        %parallel_loop3A_623 = vector.bitcast %parallel_loop3A_622 : vector<16xi32> to vector<16xf32>
        %parallel_loop3A_624 = arith.constant 16 : i32
        %parallel_loop3A_625 = vector.broadcast %parallel_loop3A_624 : i32 to vector<16xi32>
        %parallel_loop3A_626 = arith.shli %parallel_loop3A_619, %parallel_loop3A_625 : vector<16xi32>
        %parallel_loop3A_627 = vector.bitcast %parallel_loop3A_626 : vector<16xi32> to vector<16xf32>
        %parallel_loop3A_628 = arith.addf %parallel_loop3A_623, %parallel_loop3A_627 : vector<16xf32>
        %parallel_loop3A_629 = vector.broadcast %parallel_loop3A_382 : i32 to vector<16xi32>
        %parallel_loop3A_630 = arith.andi %parallel_loop3A_616, %parallel_loop3A_629 : vector<16xi32>
        %parallel_loop3A_631 = vector.bitcast %parallel_loop3A_630 : vector<16xi32> to vector<16xf32>
        %parallel_loop3A_632 = vector.broadcast %parallel_loop3A_382 : i32 to vector<16xi32>
        %parallel_loop3A_633 = arith.andi %parallel_loop3A_619, %parallel_loop3A_632 : vector<16xi32>
        %parallel_loop3A_634 = vector.bitcast %parallel_loop3A_633 : vector<16xi32> to vector<16xf32>
        %parallel_loop3A_635 = arith.addf %parallel_loop3A_631, %parallel_loop3A_634 : vector<16xf32>
        %parallel_loop3A_636 = arith.constant 2 : i32
        %parallel_loop3A_637 = arith.muli %parallel_loop3A_636, %parallel_loop3A_397 : i32
        %parallel_loop3A_638 = arith.index_cast %select_n3A_98 : i32 to index
        %parallel_loop3A_639 = arith.index_cast %parallel_loop3A_637 : i32 to index
        %parallel_loop3A_640 = arith.constant 96 : index
        %parallel_loop3A_641 = tpu.vector_load %arg11[%parallel_loop3A_638, %parallel_loop3A_639, %parallel_loop3A_640] {strides = array<i32>} : memref<2x128x128xf32, #tpu.memory_space<vmem>>, vector<16xf32>,
        tpu.vector_store %arg11[%parallel_loop3A_638, %parallel_loop3A_639, %parallel_loop3A_640], %parallel_loop3A_628 {strides = array<i32>} : memref<2x128x128xf32, #tpu.memory_space<vmem>>, vector<16xf32>,
        %parallel_loop3A_642 = arith.constant 2 : i32
        %parallel_loop3A_643 = arith.muli %parallel_loop3A_642, %parallel_loop3A_397 : i32
        %parallel_loop3A_644 = arith.constant 1 : i32
        %parallel_loop3A_645 = arith.addi %parallel_loop3A_643, %parallel_loop3A_644 : i32
        %parallel_loop3A_646 = arith.index_cast %select_n3A_98 : i32 to index
        %parallel_loop3A_647 = arith.index_cast %parallel_loop3A_645 : i32 to index
        %parallel_loop3A_648 = arith.constant 96 : index
        %parallel_loop3A_649 = tpu.vector_load %arg11[%parallel_loop3A_646, %parallel_loop3A_647, %parallel_loop3A_648] {strides = array<i32>} : memref<2x128x128xf32, #tpu.memory_space<vmem>>, vector<16xf32>,
        tpu.vector_store %arg11[%parallel_loop3A_646, %parallel_loop3A_647, %parallel_loop3A_648], %parallel_loop3A_635 {strides = array<i32>} : memref<2x128x128xf32, #tpu.memory_space<vmem>>, vector<16xf32>,
        %parallel_loop3A_650 = vector.broadcast %parallel_loop3A_397 : i32 to vector<16xi32>
        %parallel_loop3A_651 = arith.addi %mul3A_363, %parallel_loop3A_650 : vector<16xi32>
        %parallel_loop3A_652 = tpu.vector_load_idx %arg7[%parallel_loop3A_651] : memref<18720xi32, #tpu.memory_space<vmem>>[vector<16xi32>], vector<16xi32>,
        %parallel_loop3A_653 = vector.broadcast %parallel_loop3A_397 : i32 to vector<16xi32>
        %parallel_loop3A_654 = arith.addi %mul3A_379, %parallel_loop3A_653 : vector<16xi32>
        %parallel_loop3A_655 = tpu.vector_load_idx %arg8[%parallel_loop3A_654] : memref<520xi32, #tpu.memory_space<vmem>>[vector<16xi32>], vector<16xi32>,
        %parallel_loop3A_656 = arith.constant 16 : i32
        %parallel_loop3A_657 = vector.broadcast %parallel_loop3A_656 : i32 to vector<16xi32>
        %parallel_loop3A_658 = arith.shli %parallel_loop3A_652, %parallel_loop3A_657 : vector<16xi32>
        %parallel_loop3A_659 = vector.bitcast %parallel_loop3A_658 : vector<16xi32> to vector<16xf32>
        %parallel_loop3A_660 = arith.constant 16 : i32
        %parallel_loop3A_661 = vector.broadcast %parallel_loop3A_660 : i32 to vector<16xi32>
        %parallel_loop3A_662 = arith.shli %parallel_loop3A_655, %parallel_loop3A_661 : vector<16xi32>
        %parallel_loop3A_663 = vector.bitcast %parallel_loop3A_662 : vector<16xi32> to vector<16xf32>
        %parallel_loop3A_664 = arith.addf %parallel_loop3A_659, %parallel_loop3A_663 : vector<16xf32>
        %parallel_loop3A_665 = vector.broadcast %parallel_loop3A_382 : i32 to vector<16xi32>
        %parallel_loop3A_666 = arith.andi %parallel_loop3A_652, %parallel_loop3A_665 : vector<16xi32>
        %parallel_loop3A_667 = vector.bitcast %parallel_loop3A_666 : vector<16xi32> to vector<16xf32>
        %parallel_loop3A_668 = vector.broadcast %parallel_loop3A_382 : i32 to vector<16xi32>
        %parallel_loop3A_669 = arith.andi %parallel_loop3A_655, %parallel_loop3A_668 : vector<16xi32>
        %parallel_loop3A_670 = vector.bitcast %parallel_loop3A_669 : vector<16xi32> to vector<16xf32>
        %parallel_loop3A_671 = arith.addf %parallel_loop3A_667, %parallel_loop3A_670 : vector<16xf32>
        %parallel_loop3A_672 = arith.constant 2 : i32
        %parallel_loop3A_673 = arith.muli %parallel_loop3A_672, %parallel_loop3A_397 : i32
        %parallel_loop3A_674 = arith.index_cast %select_n3A_98 : i32 to index
        %parallel_loop3A_675 = arith.index_cast %parallel_loop3A_673 : i32 to index
        %parallel_loop3A_676 = arith.constant 112 : index
        %parallel_loop3A_677 = tpu.vector_load %arg11[%parallel_loop3A_674, %parallel_loop3A_675, %parallel_loop3A_676] {strides = array<i32>} : memref<2x128x128xf32, #tpu.memory_space<vmem>>, vector<16xf32>,
        tpu.vector_store %arg11[%parallel_loop3A_674, %parallel_loop3A_675, %parallel_loop3A_676], %parallel_loop3A_664 {strides = array<i32>} : memref<2x128x128xf32, #tpu.memory_space<vmem>>, vector<16xf32>,
        %parallel_loop3A_678 = arith.constant 2 : i32
        %parallel_loop3A_679 = arith.muli %parallel_loop3A_678, %parallel_loop3A_397 : i32
        %parallel_loop3A_680 = arith.constant 1 : i32
        %parallel_loop3A_681 = arith.addi %parallel_loop3A_679, %parallel_loop3A_680 : i32
        %parallel_loop3A_682 = arith.index_cast %select_n3A_98 : i32 to index
        %parallel_loop3A_683 = arith.index_cast %parallel_loop3A_681 : i32 to index
        %parallel_loop3A_684 = arith.constant 112 : index
        %parallel_loop3A_685 = tpu.vector_load %arg11[%parallel_loop3A_682, %parallel_loop3A_683, %parallel_loop3A_684] {strides = array<i32>} : memref<2x128x128xf32, #tpu.memory_space<vmem>>, vector<16xf32>,
        tpu.vector_store %arg11[%parallel_loop3A_682, %parallel_loop3A_683, %parallel_loop3A_684], %parallel_loop3A_671 {strides = array<i32>} : memref<2x128x128xf32, #tpu.memory_space<vmem>>, vector<16xf32>,
      } {sc.loop_unroll_factor = 2 : i64, sc.parallel_access}
      %dma_start3A = arith.constant 0 : i32
      %dma_start3A_383 = arith.constant 0 : i32
      %dma_start3A_384 = tpu.memref_slice %arg11[%select_n3A_98, %dma_start3A, %dma_start3A_383] : memref<2x128x128xf32, #tpu.memory_space<vmem>> -> memref<1x128x128xf32, #tpu.memory_space<vmem>>
      %dma_start3A_385 = tpu.memref_squeeze %dma_start3A_384 : memref<1x128x128xf32, #tpu.memory_space<vmem>> -> memref<128x128xf32, #tpu.memory_space<vmem>>
      %dma_start3A_386 = arith.constant 0 : i32
      %dma_start3A_387 = tpu.memref_slice %arg6[%add3A_68, %dma_start3A_386, %mul3A_100] : memref<64x128x2048xf32, #tpu.memory_space<hbm>> -> memref<1x128x128xf32, #tpu.memory_space<hbm>>
      %dma_start3A_388 = tpu.memref_squeeze %dma_start3A_387 : memref<1x128x128xf32, #tpu.memory_space<hbm>> -> memref<128x128xf32, #tpu.memory_space<hbm>>
      %dma_start3A_389 = arith.constant 0 : i32
      %dma_start3A_390 = tpu.memref_slice %arg6[%add3A_68, %dma_start3A_389, %mul3A_100] : memref<64x128x2048xf32, #tpu.memory_space<hbm>> -> memref<1x128x128xf32, #tpu.memory_space<hbm>>
      %dma_start3A_391 = tpu.memref_squeeze %dma_start3A_390 : memref<1x128x128xf32, #tpu.memory_space<hbm>> -> memref<128x128xf32, #tpu.memory_space<hbm>>
      %dma_start3A_392 = arith.constant 0 : i32
      %dma_start3A_393 = arith.constant 0 : i32
      %dma_start3A_394 = tpu.memref_slice %arg11[%select_n3A_98, %dma_start3A_392, %dma_start3A_393] : memref<2x128x128xf32, #tpu.memory_space<vmem>> -> memref<1x128x128xf32, #tpu.memory_space<vmem>>
      %dma_start3A_395 = tpu.memref_squeeze %dma_start3A_394 : memref<1x128x128xf32, #tpu.memory_space<vmem>> -> memref<128x128xf32, #tpu.memory_space<vmem>>
      tpu.enqueue_dma source(%dma_start3A_395 : memref<128x128xf32, #tpu.memory_space<vmem>>) target(%dma_start3A_391 : memref<128x128xf32, #tpu.memory_space<hbm>>) target_semaphore(%arg12 : memref<!tpu.dma_semaphore, #tpu.memory_space<semaphore_mem>>)
      %scan3A_396 = arith.constant 0 : i32
      scf.yield %scan3A_396 : i32
    }
    %scan3A_10 = arith.constant 32 : i32
    %mul3A_11 = arith.constant 2 : i32
    %mul3A_12 = arith.muli %add3A, %mul3A_11 : i32
    %dma_wait3A = arith.constant 0 : i32
    %dma_wait3A_13 = arith.constant 0 : i32
    %dma_wait3A_14 = arith.constant 0 : i32
    %dma_wait3A_15 = tpu.memref_slice %arg11[%dma_wait3A, %dma_wait3A_13, %dma_wait3A_14] : memref<2x128x128xf32, #tpu.memory_space<vmem>> -> memref<1x128x128xf32, #tpu.memory_space<vmem>>
    %dma_wait3A_16 = tpu.memref_squeeze %dma_wait3A_15 : memref<1x128x128xf32, #tpu.memory_space<vmem>> -> memref<128x128xf32, #tpu.memory_space<vmem>>
    %dma_wait3A_17 = arith.constant 0 : i32
    %dma_wait3A_18 = arith.constant 0 : i32
    %dma_wait3A_19 = tpu.memref_slice %arg6[%mul3A_12, %dma_wait3A_17, %dma_wait3A_18] : memref<64x128x2048xf32, #tpu.memory_space<hbm>> -> memref<1x128x128xf32, #tpu.memory_space<hbm>>
    %dma_wait3A_20 = tpu.memref_squeeze %dma_wait3A_19 : memref<1x128x128xf32, #tpu.memory_space<hbm>> -> memref<128x128xf32, #tpu.memory_space<hbm>>
    %dma_wait3A_21 = arith.constant 0 : i32
    %dma_wait3A_22 = arith.constant 0 : i32
    %dma_wait3A_23 = tpu.memref_slice %arg6[%mul3A_12, %dma_wait3A_21, %dma_wait3A_22] : memref<64x128x2048xf32, #tpu.memory_space<hbm>> -> memref<1x128x128xf32, #tpu.memory_space<hbm>>
    %dma_wait3A_24 = tpu.memref_squeeze %dma_wait3A_23 : memref<1x128x128xf32, #tpu.memory_space<hbm>> -> memref<128x128xf32, #tpu.memory_space<hbm>>
    %dma_wait3A_25 = arith.constant 0 : i32
    %dma_wait3A_26 = arith.constant 0 : i32
    %dma_wait3A_27 = tpu.memref_slice %arg11[%dma_wait3A, %dma_wait3A_25, %dma_wait3A_26] : memref<2x128x128xf32, #tpu.memory_space<vmem>> -> memref<1x128x128xf32, #tpu.memory_space<vmem>>
    %dma_wait3A_28 = tpu.memref_squeeze %dma_wait3A_27 : memref<1x128x128xf32, #tpu.memory_space<vmem>> -> memref<128x128xf32, #tpu.memory_space<vmem>>
    tpu.wait_dma2 semaphore(%arg12 : memref<!tpu.dma_semaphore, #tpu.memory_space<semaphore_mem>>) src(%dma_wait3A_28 : memref<128x128xf32, #tpu.memory_space<vmem>>) dst(%dma_wait3A_24 : memref<128x128xf32, #tpu.memory_space<hbm>>)
    %mul3A_29 = arith.constant 2 : i32
    %mul3A_30 = arith.muli %add3A, %mul3A_29 : i32
    %dma_wait3A_31 = arith.constant 1 : i32
    %dma_wait3A_32 = arith.constant 0 : i32
    %dma_wait3A_33 = arith.constant 0 : i32
    %dma_wait3A_34 = tpu.memref_slice %arg11[%dma_wait3A_31, %dma_wait3A_32, %dma_wait3A_33] : memref<2x128x128xf32, #tpu.memory_space<vmem>> -> memref<1x128x128xf32, #tpu.memory_space<vmem>>
    %dma_wait3A_35 = tpu.memref_squeeze %dma_wait3A_34 : memref<1x128x128xf32, #tpu.memory_space<vmem>> -> memref<128x128xf32, #tpu.memory_space<vmem>>
    %dma_wait3A_36 = arith.constant 0 : i32
    %dma_wait3A_37 = arith.constant 0 : i32
    %dma_wait3A_38 = tpu.memref_slice %arg6[%mul3A_30, %dma_wait3A_36, %dma_wait3A_37] : memref<64x128x2048xf32, #tpu.memory_space<hbm>> -> memref<1x128x128xf32, #tpu.memory_space<hbm>>
    %dma_wait3A_39 = tpu.memref_squeeze %dma_wait3A_38 : memref<1x128x128xf32, #tpu.memory_space<hbm>> -> memref<128x128xf32, #tpu.memory_space<hbm>>
    %dma_wait3A_40 = arith.constant 0 : i32
    %dma_wait3A_41 = arith.constant 0 : i32
    %dma_wait3A_42 = tpu.memref_slice %arg6[%mul3A_30, %dma_wait3A_40, %dma_wait3A_41] : memref<64x128x2048xf32, #tpu.memory_space<hbm>> -> memref<1x128x128xf32, #tpu.memory_space<hbm>>
    %dma_wait3A_43 = tpu.memref_squeeze %dma_wait3A_42 : memref<1x128x128xf32, #tpu.memory_space<hbm>> -> memref<128x128xf32, #tpu.memory_space<hbm>>
    %dma_wait3A_44 = arith.constant 0 : i32
    %dma_wait3A_45 = arith.constant 0 : i32
    %dma_wait3A_46 = tpu.memref_slice %arg11[%dma_wait3A_31, %dma_wait3A_44, %dma_wait3A_45] : memref<2x128x128xf32, #tpu.memory_space<vmem>> -> memref<1x128x128xf32, #tpu.memory_space<vmem>>
    %dma_wait3A_47 = tpu.memref_squeeze %dma_wait3A_46 : memref<1x128x128xf32, #tpu.memory_space<vmem>> -> memref<128x128xf32, #tpu.memory_space<vmem>>
    tpu.wait_dma2 semaphore(%arg12 : memref<!tpu.dma_semaphore, #tpu.memory_space<semaphore_mem>>) src(%dma_wait3A_47 : memref<128x128xf32, #tpu.memory_space<vmem>>) dst(%dma_wait3A_43 : memref<128x128xf32, #tpu.memory_space<hbm>>)
    return
  }
}

</mosaic_0001>

<sc_bundles>
// kernel: kernel.3.cloned.1.call-start
scs
__scs_entry_jumppad:
0x0: {  	(pc) =	sbr.rel $0x88, $3  }
0x1: {  	(tag) =	ssettag $0x0;
	lr =	simm.s32 $0x1  }
0x2: {  	[smem:$0x3F9E] =	sst lr;
	_ =	strace $0xD0000000  }
0x3: {  	_ = 	snop  }
0x4: {  	_ = 	snop  }
0x5: {  	_ = 	snop  }
0x6: {  	_ = 	snop  }
0x7: {  	_ = 	snop  }
__scs_overlays_trampoline_lowered:
0x8: {  	[smem:$0x3FAD] =	sst s0  }
0x9: {  	[smem:$0x3FAE] =	sst s1  }
0xa: {  	[smem:$0x3FAF] =	sst s2  }
0xb: {  	[smem:$0x3FB0] =	sst s3  }
0xc: {  	[smem:$0x3FB1] =	sst s4  }
0xd: {  	[smem:$0x3FB2] =	sst s5  }
0xe: {  	[smem:$0x3FB3] =	sst s6  }
0xf: {  	[smem:$0x3FB4] =	sst s7  }
0x10: {  	[smem:$0x3FB5] =	sst s8  }
0x11: {  	[smem:$0x3FB6] =	sst s9;
	s0 =	simm.s32 @!p0 $0x0  }
0x12: {  	s1 =	sld [smem:$0x3F9C];
	s0 =	simm.s32 @p0 $0x1  }
0x13: {  	[smem:$0x3FB7] =	sst s0;
	s0 =	simm.s32 @!p1 $0x0  }
0x14: {  	s2 =	sld [smem:$0x3F9B];
	s0 =	simm.s32 @p1 $0x1  }
0x15: {  	[smem:$0x3FB8] =	sst s0;
	s0 =	simm.s32 @!p2 $0x0  }
0x16: {  	s3 =	sld [smem:$0x3FDB];
	s0 =	simm.s32 @p2 $0x1  }
0x17: {  	s4 =	simm.s32 $0x1BF5;
	[smem:$0x3FBA] =	sst s0  }
0x18: {  	s0 =	sld [smem:$0x3F9D];
	_ =	swait.ge [sflag:s4], $0x0  }
0x19: {  	s7 =	sld [smem:$0x3F9E]  }
0x1a: {  	s8 =	sadd.s32 $0xFFFFE003, lr  }
0x1b: {  	s9 =	sadd.s32 $0xFFFFFEF7, lr;
	s5 =	simm.s32 $0xFFFFFFFF;
	p2 =	slt.u32 s8, $0xFFFFF086  }
0x1c: {  	p1 =	slt.u32 s9, $0xF7A;
	s5 =	simm.s32 @!p2 $0x0  }
0x1d: {  	s5 =	simm.s32 @p1 $0x1;
	p0 =	seq.s32 s7, s2  }
0x1e: {  	s7 =	smul.u32 @!p0 $0xF7A, s2;
	p2 =	seq.s32 @!p0 s5, $0x0  }
0x1f: {  	s9 =	smul.u32 $0xF7A, s1;
	s8 =	simm.s32 @!p0 $0x1BF5;
	p2 =	por !p2, p0  }
0x20: {  	[sflag:s8] =	ssyncset.s32 @!p0 $0xFFFFF086;
	s6 =	sadd.s32 @!p0 s3, s7;
	s7 =	simm.s32 @!p0 $0x108  }
0x21: {  	s3 =	sadd.s32 s3, s9;
	s6 =	sadd.s32 @!p0 $0x88, s6;
	s7 =	simm.s32 @p2 $0x1082  }
0x22: {  	[simem:s7], [sflag:s8] =	dma.local @!p0 [hbm:s6], $0xF7A  }
0x23: {  	s9 =	sor.u32 $0xD0000000, s2;
	s6 =	simm.s32 $0x108;
	_ =	swait.ge @!p0 [sflag:s8], $0x0  }
0x24: {  	s3 =	sadd.s32 $0x88, s3;
	s6 =	simm.s32 @!p1 $0x1082;
	[sflag:s4] =	ssyncset.s32 $0xFFFFF086  }
0x25: {  	[simem:s6], [sflag:s4] =	dma.local [hbm:s3], $0xF7A  }
0x26: {  	[smem:$0x3F9E] =	sst s1;
	(tag) =	ssettag s2;
	_ =	strace s9  }
0x27: {  	s1 =	sld [smem:$0x3FAE]  }
0x28: {  	s2 =	sld [smem:$0x3FAF]  }
0x29: {  	s4 =	sld [smem:$0x3FB1]  }
0x2a: {  	p0 =	seq.s32 s5, $0x0;
	s5 =	sld [smem:$0x3FB2]  }
0x2b: {  	s6 =	sld [smem:$0x3FB3]  }
0x2c: {  	s7 =	sld [smem:$0x3FB4]  }
0x2d: {  	s3 =	simm.s32 $0x108;
	s8 =	sld [smem:$0x3FB5]  }
0x2e: {  	s3 =	simm.s32 @!p0 $0x1082;
	s9 =	sld [smem:$0x3FB6]  }
0x2f: {  	lr =	sadd.s32 s0, s3;
	s0 =	sld [smem:$0x3FAD]  }
0x30: {  	s3 =	sld [smem:$0x3FB0]  }
0x31: {  	[smem:$0x3FB9] =	sst s10  }
0x32: {  	s10 =	sld [smem:$0x3FB7];
	_ =	sdelay $0x3  }
0x33: {  	p0 =	seq.s32 s10, $0x1;
	s10 =	sld [smem:$0x3FB9];
	_ =	sdelay $0x3  }
0x34: {  	[smem:$0x3FB9] =	sst s10  }
0x35: {  	s10 =	sld [smem:$0x3FB8];
	_ =	sdelay $0x3  }
0x36: {  	p1 =	seq.s32 s10, $0x1;
	s10 =	sld [smem:$0x3FB9];
	_ =	sdelay $0x3  }
0x37: {  	[smem:$0x3FB9] =	sst s10  }
0x38: {  	s10 =	sld [smem:$0x3FBA]  }
0x39: {  	_ = 	snop;
	(pc) =	sbr.ind lr, $3  }
0x3a: {  	_ = 	snop  }
0x3b: {  	_ = 	snop  }
0x3c: {  	p2 =	seq.s32 s10, $0x1;
	s10 =	sld [smem:$0x3FB9]  }
0x3d: {  	_ =	shalt  }
0x3e: {  	_ =	shalt  }
0x3f: {  	_ =	shalt  }
0x40: {  	_ =	shalt  }
0x41: {  	_ =	shalt  }
0x42: {  	_ =	shalt  }
0x43: {  	_ =	shalt  }
0x44: {  	_ =	shalt  }
0x45: {  	_ =	shalt  }
0x46: {  	_ =	shalt  }
0x47: {  	_ =	shalt  }
0x48: {  	_ =	shalt  }
0x49: {  	_ =	shalt  }
0x4a: {  	_ =	shalt  }
0x4b: {  	_ =	shalt  }
0x4c: {  	_ =	shalt  }
0x4d: {  	_ =	shalt  }
0x4e: {  	_ =	shalt  }
0x4f: {  	_ =	shalt  }
0x50: {  	_ =	shalt  }
0x51: {  	_ =	shalt  }
0x52: {  	_ =	shalt  }
0x53: {  	_ =	shalt  }
0x54: {  	_ =	shalt  }
0x55: {  	_ =	shalt  }
0x56: {  	_ =	shalt  }
0x57: {  	_ =	shalt  }
0x58: {  	_ =	shalt  }
0x59: {  	_ =	shalt  }
0x5a: {  	_ =	shalt  }
0x5b: {  	_ =	shalt  }
0x5c: {  	_ =	shalt  }
0x5d: {  	_ =	shalt  }
0x5e: {  	_ =	shalt  }
0x5f: {  	_ =	shalt  }
0x60: {  	_ =	shalt  }
0x61: {  	_ =	shalt  }
0x62: {  	_ =	shalt  }
0x63: {  	_ =	shalt  }
0x64: {  	_ =	shalt  }
0x65: {  	_ =	shalt  }
0x66: {  	_ =	shalt  }
0x67: {  	_ =	shalt  }
0x68: {  	_ =	shalt  }
0x69: {  	_ =	shalt  }
0x6a: {  	_ =	shalt  }
0x6b: {  	_ =	shalt  }
0x6c: {  	_ =	shalt  }
0x6d: {  	_ =	shalt  }
0x6e: {  	_ =	shalt  }
0x6f: {  	_ =	shalt  }
0x70: {  	_ =	shalt  }
0x71: {  	_ =	shalt  }
0x72: {  	_ =	shalt  }
0x73: {  	_ =	shalt  }
0x74: {  	_ =	shalt  }
0x75: {  	_ =	shalt  }
0x76: {  	_ =	shalt  }
0x77: {  	_ =	shalt  }
0x78: {  	_ =	shalt  }
0x79: {  	_ =	shalt  }
0x7a: {  	_ =	shalt  }
0x7b: {  	_ =	shalt  }
0x7c: {  	_ =	shalt  }
0x7d: {  	_ =	shalt  }
0x7e: {  	_ =	shalt  }
0x7f: {  	_ =	shalt  }
0x80: {  	_ =	shalt  }
0x81: {  	_ =	shalt  }
0x82: {  	_ =	shalt  }
0x83: {  	_ =	shalt  }
0x84: {  	_ =	shalt  }
0x85: {  	_ =	shalt  }
0x86: {  	_ =	shalt  }
0x87: {  	_ =	shalt  }
.Lfunc_end0:
.L_simem_size_0:
called_computation.1_lowered:
.L_overlay_start_0:
0x88: {  	s2 =	sld [smem:$0x3FD9]  }
0x89: {  	s3 =	sld [smem:$0x3FFE];
	_ =	sdelay $0x1  }
0x8a: {  	s1 =	srdreg.scid  }
0x8b: {  	s0 =	sand.u32 $0x1, s1  }
0x8c: {  	s17 =	sshll.u32 s0, $0xA;
	s2 =	sadd.s32 s3, s2  }
0x8d: {  	s2 =	sadd.s32 s2, s17  }
0x8e: {  	[smem:$0x3FC5] =	sst s2  }
0x8f: {  	_ = 	snop  }
0x90: {  	s2 =	sld [smem:$0x3FD0];
	(tm) =	ssettm $0x1  }
0x91: {  	s18 =	sld [smem:$0x3FFB];
	_ =	sdelay $0x3  }
0x92: {  	_ =	strace s18  }
0x93: {  	s3 =	sld [smem:$0x3FFC];
	_ =	sdelay $0x3  }
0x94: {  	_ =	strace s3  }
0x95: {  	s3 =	sld [smem:$0x3FFD];
	_ =	sdelay $0x3  }
0x96: {  	_ =	strace s3  }
0x97: {  	_ =	strace $0x8FFFFFFF  }
0x98: {  	s19 =	sld [smem:$0x3FDB];
	_ =	sdelay $0x1  }
0x99: {  	s4 =	simm.s32 $_scs_section_size  }
0x9a: {  	s5 =	simm.s32 $_size__tile_overlayer_lowered;
	s6 =	simm.s32 $_tile_overlayer_lowered  }
0x9b: {  	s22 =	simm.s32 $0x1BFF;
	s21 =	sshll.u32 s6, $0x1;
	s3 =	sadd.s32 s4, s19  }
0x9c: {  	s7 =	simm.s32 $0x0;
	s20 =	sshll.u32 s5, $0x1;
	s5 =	sadd.s32 s21, s3  }
0x9d: {  	[timem:s7], [sflag:s22] =	dma.local [hbm:s5], s20  }
0x9e: {  	_ =	swait.ge [sflag:s22], s20  }
0x9f: {  	s4 =	ssub.s32 $0x0, s20;
	[sflag:s22] =	ssyncset.done $0x0  }
0xa0: {  	[sflag:s22] =	ssyncadd.s32 s4;
	_ =	sdelay $0x1  }
0xa1: {  	s23 =	simm.s32 $0x1B8B  }
0xa2: {  	_ =	swait.ge [sflag:s23], $0x1  }
0xa3: {  	[sflag:s23] =	ssyncset.done $0x0  }
0xa4: {  	s25 =	simm.s32 $0x1B8E;
	s24 =	sld [smem:$0x3FFE];
	[sflag:s23] =	ssyncadd.s32 $0xFFFFFFFF  }
0xa5: {  	s26 =	simm.s32 $execute0_lowered;
	[smem:$0x3FD2] =	sst s25  }
0xa6: {  	s5 =	sshll.u32 s26, $0x1;
	_ =	strace $0x80000046;
	[dreg:$0x1] =	wrdreg $0xFFFFFFFF  }
0xa7: {  	s28 =	simm.s32 $_size_execute0_lowered;
	s3 =	sadd.s32 s3, s5;
	[dreg:$0x0] =	wrdreg $0x0  }
0xa8: {  	s5 =	sshll.u32 s28, $0x1;
	[dreg:$0x2] =	wrdreg s3  }
0xa9: {  	[dreg:$0x3] =	wrdreg s5  }
0xaa: {  	[dreg:$0x4] =	wrdreg $0xC0  }
0xab: {  	_ =	task [dreg:s7], $0x5FFFF  }
0xac: {  	[dreg:$0x1] =	wrdreg $0xFFFFFFFF  }
0xad: {  	[dreg:$0x0] =	wrdreg $0x60  }
0xae: {  	[dreg:$0x2] =	wrdreg s2  }
0xaf: {  	[dreg:$0x3] =	wrdreg s24  }
0xb0: {  	[dreg:$0x4] =	wrdreg $0x9  }
0xb1: {  	_ =	task.clear_ibuf [dreg:s7], $0x5FFFF;
	_ =	strace $0x90000046  }
0xb2: {  	s29 =	simm.s32 $0x9;
	_ =	strace $0x80000048  }
0xb3: {  	_ =	swait.ge [sflag:s29], $0x1  }
0xb4: {  	[sflag:s29] =	ssyncadd.s32 $0xFFFFFFFF  }
0xb5: {  	_ =	strace $0x90000048  }
0xb6: {  	_ =	sfence  }
0xb7: {  	s30 =	sld [smem:$0x0];
	_ =	sdelay $0x2  }
0xb8: {  	s31 =	sshll.u32 s1, $0xD;
	s1 =	sshrl.u32 s1, $0x2  }
0xb9: {  	s3 =	sand.u32 $0x4000, s31;
	s1 =	sadd.s32 s1, s30  }
0xba: {  	s0 =	sor.u32 s3, s0;
	s1 =	sshll.u32 s1, $0x11  }
0xbb: {  	s0 =	sor.u32 s1, s0  }
0xbc: {  	s0 =	sadd.s32 $0x8F2B, s0  }
0xbd: {  	[sflag:s0] =	ssyncadd.remote.s32 $0x1  }
0xbe: {  	_ =	sfence.sel $0xFFFF  }
0xbf: {  	[dreg:$0x0] =	wrdreg $0xFFFFFFFF;
	(pc) =	sbr.abs _section_cstart, $3  }
0xc0: {  	[dreg:$0x1] =	wrdreg $0xFFFFFFFF  }
0xc1: {  	_ =	task.clear_ibuf [dreg:s7], $0x2FFFF;
	_ =	strace $0x9FFFFFFF  }
0xc2: {  	(tm) =	ssettm $0x7FFFFFFF  }
0xc3: {  	_ =	shalt  }
tec
execute0_lowered:
.L_overlay_start_1:
0x0: {  	(tag) =	ssettag $0x1  }
0x1: {  	s5 =	rddreg [dreg:$0x0]  }
0x2: {  	s2 =	rddreg [dreg:$0x1]  }
0x3: {  	s0 =	rddreg [dreg:$0x2];
	s4 =	srdreg.scid  }
0x4: {  	s1 =	stileid.u32;
	s3 =	simm.s32 $0x0;
	s12 =	simm.s32 $0x5C00  }
0x5: {  	s13 =	simm.s32 $0x1;
	s14 =	simm.s32 $0x400;
	s15 =	simm.s32 $0x4000  }
0x6: {  	s4 =	sand.u32 $0x1, s4;
	s6 =	sshll.u32 s1, $0x1;
	[smem:$0x7FF] =	sst s3  }
0x7: {  	s16 =	simm.s32 $0x0;
	s6 =	sor.u32 s4, s6;
	_ =	strace $0x80000047  }
0x8: {  	s8 =	ssub.s32 $0x2, s4;
	s4 =	sadd.s32 $0x200, s2;
	s7 =	sshll.u32 s6, $0x9  }
0x9: {  	s6 =	sshll.u32 s6, $0x10;
	s10 =	sshrl.u32 s8, $0x1;
	s9 =	sadd.s32 s7, s2  }
0xa: {  	s11 =	sadd.s32 s6, s2;
	s8 =	ssub.s32 s8, s10;
	s5 =	sadd.s32 s5, s7  }
0xb: {  	s10 =	simm.s32 $0x4980;
	s6 =	sadd.s32 $0xC00, s9;
	s7 =	sadd.s32 $0x4C00, s11  }
0xc: {  	s8 =	smax.u32 s8, $0x1;
	s9 =	simm.s32 $0x2;
	s11 =	simm.s32 $0x4C00  }
.LBB2_1:
0xd: {  	[tilespmem:s3], [sflag:$0x2] =	stream.linear.gather [hbm4b:s4+s3], $0x4980, $0x38;
	[tilespmem:$0xEC00] =	vst v63  }
0xe: {  	_ =	swait.ge [sflag:s9], $0x4980  }
0xf: {  	[sflag:s9] =	ssyncset.done $0x0  }
0x10: {  	[sflag:s9] =	ssyncadd.s32 $0xFFFFB680  }
0x11: {  	[tilespmem:s10], [sflag:$0x2] =	stream.linear.gather [hbm4b:s2+s3], $0x280, $0x38;
	[tilespmem:$0xEC00] =	vst v63  }
0x12: {  	_ =	swait.ge [sflag:s9], $0x280  }
0x13: {  	[sflag:s9] =	ssyncset.done $0x0  }
0x14: {  	[sflag:s9] =	ssyncadd.s32 $0xFFFFFD80  }
0x15: {  	[tilespmem:s11], [sflag:$0x2] =	stream.linear.gather [hbm4b:s5+s3], $0x1000, $0x38;
	[tilespmem:$0xEC00] =	vst v63  }
0x16: {  	_ =	swait.ge [sflag:s9], $0x1000  }
0x17: {  	[sflag:s9] =	ssyncset.done $0x0  }
0x18: {  	[sflag:s9] =	ssyncadd.s32 $0xFFFFF000  }
0x19: {  	[tilespmem:s12], [sflag:$0x2] =	stream.linear.gather [hbm4b:s6+s3], $0x1000, $0x38;
	[tilespmem:$0xEC00] =	vst v63  }
0x1a: {  	_ =	swait.ge [sflag:s9], $0x1000  }
0x1b: {  	[sflag:s9] =	ssyncset.done $0x0  }
0x1c: {  	p0 =	por $0x0, $0x0;
	s17 =	simm.s32 $0x0;
	[sflag:s9] =	ssyncadd.s32 $0xFFFFF000  }
.LBB2_2:
0x1d: {  	p1 =	slt.u32 s17, $0x2  }
0x1e: {  	s18 =	simm.s32 @!p1 $0x1  }
0x1f: {  	_ =	swait.ge @!p1 [sflag:s18], $0x4000  }
0x20: {  	[sflag:s18] =	ssyncset.done @!p1 $0x0  }
0x21: {  	[sflag:s18] =	ssyncadd.s32 @!p1 $0xFFFFC000;
	s18 =	sshll.u32 s17, $0x7  }
0x22: {  	v0 =	vld [tilespmem:s18+$0x4C00]  }
0x23: {  	v1 =	vld [tilespmem:s18+$0x5C00]  }
0x24: {  	v2 =	vld [tilespmem:s18+$0x4C10]  }
0x25: {  	v3 =	vld [tilespmem:s18+$0x5C10]  }
0x26: {  	v4 =	vld [tilespmem:s18+$0x4C20]  }
0x27: {  	v7 =	vld [tilespmem:s18+$0x5C20]  }
0x28: {  	v32 =	vld [tilespmem:s18+$0x5C70];
	v0 =	vmul.f32 $2.880000000e+02, v0  }
0x29: {  	v1 =	vmax.f32 v1, $0.0e+00  }
0x2a: {  	v2 =	vmul.f32 $2.880000000e+02, v2;
	v1 =	vmin.f32 v1, $6.000000000e+00;
	v0 =	vmax.f32 v0, $0.0e+00  }
0x2b: {  	v4 =	vmul.f32 $2.880000000e+02, v4;
	v1 =	vtrunc.f32 v1;
	v0 =	vmin.f32 v0, $2.870000000e+02  }
0x2c: {  	v3 =	vmax.f32 v3, $0.0e+00;
	v5 =	vcvt.f32.s32 v1;
	v0 =	vtrunc.f32 v0  }
0x2d: {  	v7 =	vmax.f32 v7, $0.0e+00;
	v32 =	vmax.f32 v32, $0.0e+00;
	v0 =	vcvt.f32.s32 v0  }
0x2e: {  	v3 =	vmin.f32 v3, $6.000000000e+00;
	v1 =	vmax.f32 v2, $0.0e+00;
	v2 =	vmul.u32 $0x41, v5  }
0x2f: {  	s24 =	simm.s32 $0x1;
	v7 =	vmin.f32 v7, $6.000000000e+00;
	v6 =	vmin.f32 v1, $2.870000000e+02;
	v0 =	vmul.u32 $0x41, v0  }
0x30: {  	v32 =	vmin.f32 v32, $6.000000000e+00;
	v5 =	vtrunc.f32 v6;
	v6 =	vld [tilespmem:s18+$0x4C30];
	v13 =	vadd.s32 s24, v2  }
0x31: {  	v3 =	vtrunc.f32 v3;
	v5 =	vcvt.f32.s32 v5;
	v10 =	vadd.s32 s24, v0  }
0x32: {  	v4 =	vmax.f32 v4, $0.0e+00;
	v7 =	vtrunc.f32 v7;
	v3 =	vcvt.f32.s32 v3  }
0x33: {  	v32 =	vtrunc.f32 v32;
	v4 =	vmin.f32 v4, $2.870000000e+02;
	v9 =	vmul.u32 $0x41, v5;
	v5 =	vld [tilespmem:s18+$0x4C40]  }
0x34: {  	v12 =	vld [tilespmem:s18+$0x5C30];
	v7 =	vcvt.f32.s32 v7;
	v4 =	vtrunc.f32 v4;
	v16 =	vmul.u32 $0x41, v3  }
0x35: {  	v4 =	vcvt.f32.s32 v4;
	v6 =	vmul.f32 $2.880000000e+02, v6;
	v18 =	vld.idx.msk [tilespmem:v13+s10+$0x0], $0xffff  }
0x36: {  	s22 =	simm.s32 $0x3;
	v8 =	vadd.s32 $0x2, v2;
	v21 =	vadd.s32 s24, v16;
	v31 =	vadd.s32 $0x2, v16;
	v17 =	vld.idx.msk [tilespmem:v10+s3+$0x0], $0xffff  }
0x37: {  	v51 =	vadd.s32 s22, v2;
	v6 =	vmax.f32 v6, $0.0e+00;
	v13 =	vmul.u32 $0x41, v4;
	v4 =	vld.idx.msk [tilespmem:v2+s10+$0x0], $0xffff  }
0x38: {  	v3 =	vmin.f32 v6, $2.870000000e+02;
	v5 =	vmul.f32 $2.880000000e+02, v5;
	v6 =	vld.idx.msk [tilespmem:v0+s3+$0x0], $0xffff;
	v10 =	vmul.u32 $0x41, v7  }
0x39: {  	v14 =	vld [tilespmem:s18+$0x5C40];
	v3 =	vtrunc.f32 v3;
	v7 =	vmax.f32 v12, $0.0e+00;
	v12 =	vadd.s32 s24, v9  }
0x3a: {  	s19 =	simm.s32 $0x1;
	v15 =	vld [tilespmem:s18+$0x4C50];
	v3 =	vcvt.f32.s32 v3;
	v5 =	vmax.f32 v5, $0.0e+00;
	v7 =	vmin.f32 v7, $6.000000000e+00  }
0x3b: {  	s19 =	simm.s32 @!p0 $0x0;
	v22 =	vld [tilespmem:s18+$0x5C50];
	v5 =	vmin.f32 v5, $2.870000000e+02;
	v20 =	vshll.u32 v18, $0x10;
	v19 =	vshll.u32 v17, $0x10  }
0x3c: {  	s19 =	sshll.u32 s19, $0xE;
	v25 =	vld [tilespmem:s18+$0x4C60];
	v18 =	vand.u32 $0xFFFF0000, v18;
	v17 =	vand.u32 $0xFFFF0000, v17;
	v19 =	vadd.f32 v20, v19  }
0x3d: {  	s19 =	sadd.s32 $0x6D00, s19;
	v26 =	vld [tilespmem:s18+$0x5C60];
	v23 =	vshll.u32 v4, $0x10;
	v20 =	vshll.u32 v6, $0x10;
	v17 =	vadd.f32 v18, v17  }
0x3e: {  	v27 =	vld [tilespmem:s18+$0x4C70];
	v4 =	vand.u32 $0xFFFF0000, v4;
	v6 =	vand.u32 $0xFFFF0000, v6;
	v18 =	vadd.f32 v23, v20;
	[tilespmem:s19+$0x0] =	vst v19  }
0x3f: {  	v7 =	vtrunc.f32 v7;
	v5 =	vtrunc.f32 v5;
	v4 =	vadd.f32 v4, v6;
	[tilespmem:s19+$0x80] =	vst v17  }
0x40: {  	s21 =	simm.s32 $0x0;
	v61 =	vadd.s32 s22, v16;
	v5 =	vcvt.f32.s32 v5;
	v6 =	vcvt.f32.s32 v7;
	[tilespmem:s19+$0xFFFFFF00] =	vst v18;
	v7 =	vld.idx.msk [tilespmem:v12+s3+$0x0], $0xffff  }
0x41: {  	v37 =	vadd.s32 s21, v8;
	v55 =	vadd.s32 s21, v31;
	v19 =	vmul.u32 $0x41, v3;
	[tilespmem:s19+$0xFFFFFF80] =	vst v4;
	v3 =	vld.idx.msk [tilespmem:v21+s10+$0x0], $0xffff  }
0x42: {  	v1 =	vadd.s32 $0x2, v0;
	v11 =	vadd.s32 $0x2, v9;
	v12 =	vmul.u32 $0x41, v5;
	v5 =	vld.idx.msk [tilespmem:v9+s3+$0x0], $0xffff  }
0x43: {  	v21 =	vmul.u32 $0x41, v6;
	v4 =	vmax.f32 v14, $0.0e+00;
	v6 =	vmul.f32 $2.880000000e+02, v15;
	v15 =	vld.idx.msk [tilespmem:v16+s10+$0x0], $0xffff  }
0x44: {  	v35 =	vadd.s32 s21, v1;
	v58 =	vadd.s32 s22, v9;
	v4 =	vmin.f32 v4, $6.000000000e+00  }
0x45: {  	v33 =	vadd.s32 s24, v10;
	v17 =	vadd.s32 s24, v13;
	v4 =	vtrunc.f32 v4  }
0x46: {  	v4 =	vcvt.f32.s32 v4;
	v18 =	vshll.u32 v7, $0x10;
	v24 =	vshll.u32 v3, $0x10  }
0x47: {  	v7 =	vand.u32 $0xFFFF0000, v7;
	v3 =	vand.u32 $0xFFFF0000, v3;
	v18 =	vadd.f32 v24, v18  }
0x48: {  	v24 =	vshll.u32 v5, $0x10;
	v28 =	vshll.u32 v15, $0x10;
	v3 =	vadd.f32 v3, v7  }
0x49: {  	v5 =	vand.u32 $0xFFFF0000, v5;
	v15 =	vand.u32 $0xFFFF0000, v15;
	v7 =	vadd.f32 v28, v24;
	[tilespmem:s19+$0x10] =	vst v18  }
0x4a: {  	v54 =	vadd.s32 s21, v11;
	v6 =	vmax.f32 v6, $0.0e+00;
	v5 =	vadd.f32 v15, v5;
	[tilespmem:s19+$0x90] =	vst v3  }
0x4b: {  	v30 =	vadd.s32 $0x2, v13;
	v24 =	vmul.u32 $0x41, v4;
	v4 =	vmin.f32 v6, $2.870000000e+02;
	[tilespmem:s19+$0xFFFFFF10] =	vst v7;
	v7 =	vld.idx.msk [tilespmem:v17+s3+$0x0], $0xffff  }
0x4c: {  	v6 =	vmul.f32 $2.880000000e+02, v25;
	v3 =	vtrunc.f32 v4;
	v4 =	vmax.f32 v22, $0.0e+00;
	[tilespmem:s19+$0xFFFFFF90] =	vst v5;
	v5 =	vld.idx.msk [tilespmem:v33+s10+$0x0], $0xffff  }
0x4d: {  	v49 =	vadd.s32 s24, v21;
	v15 =	vmax.f32 v26, $0.0e+00;
	v4 =	vmin.f32 v4, $6.000000000e+00;
	v18 =	vld.idx.msk [tilespmem:v13+s3+$0x0], $0xffff  }
0x4e: {  	v3 =	vcvt.f32.s32 v3;
	v6 =	vmax.f32 v6, $0.0e+00;
	v4 =	vtrunc.f32 v4;
	v22 =	vld.idx.msk [tilespmem:v10+s10+$0x0], $0xffff  }
0x4f: {  	v15 =	vmin.f32 v15, $6.000000000e+00;
	v6 =	vmin.f32 v6, $2.870000000e+02;
	v4 =	vcvt.f32.s32 v4  }
0x50: {  	v37 =	vld.idx.msk [tilespmem:v37+s10+$0x0], $0xffff;
	v17 =	vmul.u32 $0x41, v3;
	v3 =	vtrunc.f32 v6;
	v6 =	vtrunc.f32 v15  }
0x51: {  	v35 =	vld.idx.msk [tilespmem:v35+s3+$0x0], $0xffff;
	v15 =	vadd.s32 s24, v19;
	v25 =	vshll.u32 v7, $0x10;
	v26 =	vshll.u32 v5, $0x10  }
0x52: {  	v7 =	vand.u32 $0xFFFF0000, v7;
	v5 =	vand.u32 $0xFFFF0000, v5;
	v25 =	vadd.f32 v26, v25  }
0x53: {  	v26 =	vshll.u32 v18, $0x10;
	v34 =	vshll.u32 v22, $0x10;
	v7 =	vadd.f32 v5, v7  }
0x54: {  	v18 =	vand.u32 $0xFFFF0000, v18;
	v22 =	vand.u32 $0xFFFF0000, v22;
	v26 =	vadd.f32 v34, v26;
	[tilespmem:s19+$0x20] =	vst v25  }
0x55: {  	v29 =	vadd.s32 $0x2, v10;
	v25 =	vmul.u32 $0x41, v4;
	v4 =	vadd.f32 v22, v18;
	[tilespmem:s19+$0xA0] =	vst v7  }
0x56: {  	v43 =	vshll.u32 v37, $0x10;
	v63 =	vshll.u32 v35, $0x10;
	v48 =	vand.u32 $0xFFFF0000, v35;
	[tilespmem:s19+$0xFFFFFF20] =	vst v26;
	v15 =	vld.idx.msk [tilespmem:v15+s3+$0x0], $0xffff  }
0x57: {  	v20 =	vadd.s32 $0x2, v19;
	v23 =	vadd.s32 $0x2, v21;
	v3 =	vcvt.f32.s32 v3;
	[tilespmem:s19+$0xFFFFFFA0] =	vst v4;
	v4 =	vld.idx.msk [tilespmem:v49+s10+$0x0], $0xffff  }
0x58: {  	v6 =	vcvt.f32.s32 v6;
	v18 =	vmul.f32 $2.880000000e+02, v27;
	v27 =	vadd.s32 s22, v0;
	v50 =	vld.idx.msk [tilespmem:v19+s3+$0x0], $0xffff  }
0x59: {  	v14 =	vadd.s32 $0x2, v12;
	v38 =	vadd.s32 s24, v12;
	v5 =	vmul.u32 $0x41, v3;
	v36 =	vld.idx.msk [tilespmem:v21+s10+$0x0], $0xffff  }
0x5a: {  	v28 =	vadd.s32 $0x2, v24;
	v41 =	vadd.s32 s24, v24;
	v6 =	vmul.u32 $0x41, v6  }
0x5b: {  	v34 =	vld.idx.msk [tilespmem:v51+s10+$0x0], $0xffff;
	v51 =	vadd.s32 s24, v17;
	v22 =	vadd.s32 $0x2, v17;
	v3 =	vadd.s32 $0x2, v5  }
0x5c: {  	v18 =	vmax.f32 v18, $0.0e+00;
	v39 =	vshll.u32 v15, $0x10;
	v40 =	vshll.u32 v4, $0x10  }
0x5d: {  	v27 =	vld.idx.msk [tilespmem:v27+s3+$0x0], $0xffff;
	v15 =	vand.u32 $0xFFFF0000, v15;
	v4 =	vand.u32 $0xFFFF0000, v4;
	v39 =	vadd.f32 v40, v39  }
0x5e: {  	v52 =	vshll.u32 v50, $0x10;
	v42 =	vshll.u32 v36, $0x10;
	v15 =	vadd.f32 v4, v15  }
0x5f: {  	v33 =	vand.u32 $0xFFFF0000, v50;
	v36 =	vand.u32 $0xFFFF0000, v36;
	v40 =	vadd.f32 v42, v52;
	[tilespmem:s19+$0x30] =	vst v39  }
0x60: {  	v7 =	vadd.s32 $0x2, v6;
	v18 =	vmin.f32 v18, $2.870000000e+02;
	v53 =	vadd.f32 v36, v33;
	[tilespmem:s19+$0xB0] =	vst v15  }
0x61: {  	v26 =	vadd.s32 $0x2, v25;
	v49 =	vand.u32 $0xFFFF0000, v37;
	v18 =	vtrunc.f32 v18;
	[tilespmem:s19+$0xFFFFFF30] =	vst v40;
	v38 =	vld.idx.msk [tilespmem:v38+s3+$0x0], $0xffff  }
0x62: {  	v60 =	vshll.u32 v34, $0x10;
	v18 =	vcvt.f32.s32 v18;
	v15 =	vshll.u32 v27, $0x10;
	[tilespmem:s19+$0xFFFFFFB0] =	vst v53;
	v59 =	vld.idx.msk [tilespmem:v41+s10+$0x0], $0xffff  }
0x63: {  	v34 =	vand.u32 $0xFFFF0000, v34;
	v27 =	vand.u32 $0xFFFF0000, v27;
	v15 =	vadd.f32 v60, v15;
	v62 =	vld.idx.msk [tilespmem:v12+s3+$0x0], $0xffff  }
0x64: {  	s20 =	sadd.s32 $0x200, s19;
	v4 =	vmul.u32 $0x41, v18;
	v18 =	vcvt.f32.s32 v32;
	v27 =	vadd.f32 v34, v27;
	v44 =	vld.idx.msk [tilespmem:v24+s10+$0x0], $0xffff  }
0x65: {  	s23 =	simm.s32 $0x2;
	v57 =	vadd.s32 s24, v25;
	v50 =	vadd.f32 v43, v63;
	v63 =	vadd.s32 s21, v30;
	[tilespmem:s20+$0x0] =	vst v15  }
0x66: {  	v42 =	vadd.s32 s23, v8;
	v15 =	vmul.u32 $0x41, v18;
	v18 =	vadd.f32 v49, v48;
	[tilespmem:s20+$0x80] =	vst v27  }
0x67: {  	v41 =	vadd.s32 s23, v1;
	v52 =	vld.idx.msk [tilespmem:v58+s3+$0x0], $0xffff;
	v27 =	vshll.u32 v38, $0x10;
	v56 =	vshll.u32 v59, $0x10  }
0x68: {  	v58 =	vld.idx.msk [tilespmem:v61+s10+$0x0], $0xffff;
	[tilespmem:s20+$0xFFFFFF80] =	vst v18;
	v32 =	vand.u32 $0xFFFF0000, v59;
	v18 =	vadd.f32 v56, v27;
	v27 =	vand.u32 $0xFFFF0000, v38  }
0x69: {  	[tilespmem:s20+$0xFFFFFF00] =	vst v50;
	v59 =	vshll.u32 v62, $0x10;
	v60 =	vshll.u32 v44, $0x10;
	v32 =	vadd.f32 v32, v27  }
0x6a: {  	v33 =	vld.idx.msk [tilespmem:v54+s3+$0x0], $0xffff;
	v61 =	vand.u32 $0xFFFF0000, v62;
	v62 =	vand.u32 $0xFFFF0000, v44;
	v37 =	vadd.f32 v60, v59;
	[tilespmem:s19+$0x40] =	vst v18  }
0x6b: {  	v48 =	vadd.s32 s22, v13;
	v36 =	vld.idx.msk [tilespmem:v55+s10+$0x0], $0xffff;
	v55 =	vadd.s32 s22, v10;
	v38 =	vadd.f32 v62, v61;
	[tilespmem:s19+$0xC0] =	vst v32  }
0x6c: {  	v44 =	vadd.s32 s21, v20;
	v27 =	vadd.s32 $0x2, v4;
	v18 =	vadd.s32 $0x2, v15;
	[tilespmem:s19+$0xFFFFFF40] =	vst v37;
	v34 =	vld.idx.msk [tilespmem:v51+s3+$0x0], $0xffff  }
0x6d: {  	v53 =	vshll.u32 v52, $0x10;
	v54 =	vshll.u32 v58, $0x10;
	v35 =	vand.u32 $0xFFFF0000, v52;
	[tilespmem:s19+$0xFFFFFFC0] =	vst v38;
	v49 =	vld.idx.msk [tilespmem:v57+s10+$0x0], $0xffff  }
0x6e: {  	v40 =	vand.u32 $0xFFFF0000, v58;
	v58 =	vadd.s32 s24, v5;
	v52 =	vadd.s32 s24, v6;
	v45 =	vld.idx.msk [tilespmem:v17+s3+$0x0], $0xffff  }
0x6f: {  	v39 =	vadd.f32 v54, v53;
	v35 =	vadd.f32 v40, v35;
	v32 =	vadd.s32 s21, v22;
	v56 =	vld.idx.msk [tilespmem:v25+s10+$0x0], $0xffff  }
0x70: {  	v46 =	vshll.u32 v33, $0x10;
	v47 =	vshll.u32 v36, $0x10;
	v33 =	vand.u32 $0xFFFF0000, v33  }
0x71: {  	v42 =	vld.idx.msk [tilespmem:v42+s10+$0x0], $0xffff;
	v36 =	vand.u32 $0xFFFF0000, v36;
	v57 =	vadd.s32 s21, v29;
	v46 =	vadd.f32 v47, v46;
	[tilespmem:s20+$0x10] =	vst v39  }
0x72: {  	v33 =	vadd.f32 v36, v33;
	[tilespmem:s20+$0x90] =	vst v35;
	v50 =	vshll.u32 v34, $0x10;
	v51 =	vshll.u32 v49, $0x10  }
0x73: {  	v37 =	vld.idx.msk [tilespmem:v48+s3+$0x0], $0xffff;
	[tilespmem:s20+$0xFFFFFF10] =	vst v46;
	v53 =	vand.u32 $0xFFFF0000, v34;
	v38 =	vand.u32 $0xFFFF0000, v49;
	v59 =	vshll.u32 v45, $0x10  }
0x74: {  	v54 =	vld.idx.msk [tilespmem:v55+s10+$0x0], $0xffff;
	[tilespmem:s20+$0xFFFFFF90] =	vst v33;
	v60 =	vshll.u32 v56, $0x10;
	v34 =	vadd.s32 s23, v11;
	v36 =	vadd.f32 v51, v50  }
0x75: {  	v48 =	vld.idx.msk [tilespmem:v63+s3+$0x0], $0xffff;
	v55 =	vand.u32 $0xFFFF0000, v45;
	v43 =	vand.u32 $0xFFFF0000, v56;
	v61 =	vadd.f32 v38, v53  }
0x76: {  	v63 =	vld.idx.msk [tilespmem:v57+s10+$0x0], $0xffff;
	v49 =	vadd.s32 s21, v14;
	v56 =	vadd.s32 s22, v19;
	v45 =	vand.u32 $0xFFFF0000, v42;
	[tilespmem:s19+$0x50] =	vst v36  }
0x77: {  	v62 =	vadd.f32 v60, v59;
	v40 =	vadd.f32 v43, v55;
	v43 =	vadd.s32 s21, v23;
	[tilespmem:s19+$0xD0] =	vst v61  }
0x78: {  	v50 =	vadd.s32 s21, v28;
	v59 =	vadd.s32 s22, v21;
	v55 =	vadd.s32 s22, v24;
	v35 =	vld.idx.msk [tilespmem:v58+s3+$0x0], $0xffff  }
0x79: {  	v57 =	vshll.u32 v37, $0x10;
	v37 =	vand.u32 $0xFFFF0000, v37;
	v33 =	vand.u32 $0xFFFF0000, v54;
	[tilespmem:s19+$0xFFFFFF50] =	vst v62;
	v38 =	vld.idx.msk [tilespmem:v52+s10+$0x0], $0xffff  }
0x7a: {  	v36 =	vadd.s32 s23, v31;
	[tilespmem:s19+$0xFFFFFFD0] =	vst v40;
	v37 =	vadd.f32 v33, v37;
	v58 =	vshll.u32 v54, $0x10  }
0x7b: {  	v60 =	vld.idx.msk [tilespmem:v5+s3+$0x0], $0xffff;
	v51 =	vshll.u32 v48, $0x10;
	v46 =	vadd.f32 v58, v57;
	v52 =	vshll.u32 v63, $0x10  }
0x7c: {  	v53 =	vld.idx.msk [tilespmem:v6+s10+$0x0], $0xffff;
	v48 =	vand.u32 $0xFFFF0000, v48;
	v39 =	vand.u32 $0xFFFF0000, v63;
	[tilespmem:s20+$0xA0] =	vst v37;
	v51 =	vadd.f32 v52, v51  }
0x7d: {  	v41 =	vld.idx.msk [tilespmem:v41+s3+$0x0], $0xffff;
	v33 =	vadd.s32 s21, v26;
	v37 =	vadd.s32 s24, v4;
	v39 =	vadd.f32 v39, v48;
	[tilespmem:s20+$0x20] =	vst v46  }
0x7e: {  	v63 =	vadd.s32 s24, v15;
	[tilespmem:s20+$0xFFFFFF20] =	vst v51;
	v51 =	vld.idx.msk [tilespmem:v56+s3+$0x0], $0xffff;
	v61 =	vshll.u32 v35, $0x10;
	v62 =	vshll.u32 v38, $0x10  }
0x7f: {  	s25 =	simm.s32 $0x5;
	[tilespmem:s20+$0xFFFFFFA0] =	vst v39;
	v39 =	vld.idx.msk [tilespmem:v59+s10+$0x0], $0xffff;
	v35 =	vand.u32 $0xFFFF0000, v35;
	v38 =	vand.u32 $0xFFFF0000, v38;
	v56 =	vadd.f32 v62, v61  }
0x80: {  	v54 =	vshll.u32 v42, $0x10;
	v57 =	vadd.s32 s25, v0;
	v48 =	vld.idx.msk [tilespmem:v44+s3+$0x0], $0xffff;
	v35 =	vadd.f32 v38, v35  }
0x81: {  	v58 =	vshll.u32 v60, $0x10;
	v59 =	vshll.u32 v53, $0x10;
	v43 =	vld.idx.msk [tilespmem:v43+s10+$0x0], $0xffff;
	v38 =	vadd.s32 s25, v2;
	[tilespmem:s19+$0x60] =	vst v56  }
0x82: {  	v47 =	vand.u32 $0xFFFF0000, v60;
	v60 =	vand.u32 $0xFFFF0000, v53;
	v46 =	vadd.f32 v59, v58;
	[tilespmem:s19+$0xE0] =	vst v35  }
0x83: {  	v53 =	vshll.u32 v41, $0x10;
	v44 =	vand.u32 $0xFFFF0000, v41;
	v61 =	vadd.f32 v60, v47;
	v47 =	vld.idx.msk [tilespmem:v37+s3+$0x0], $0xffff  }
0x84: {  	v41 =	vadd.s32 s22, v12;
	[tilespmem:s19+$0xFFFFFF60] =	vst v46;
	v46 =	vadd.f32 v54, v53;
	v42 =	vld.idx.msk [tilespmem:v63+s10+$0x0], $0xffff;
	v62 =	vshll.u32 v51, $0x10  }
0x85: {  	v56 =	vld.idx.msk [tilespmem:v57+s3+$0x0], $0xffff;
	v63 =	vshll.u32 v39, $0x10;
	v60 =	vand.u32 $0xFFFF0000, v51;
	v39 =	vand.u32 $0xFFFF0000, v39  }
0x86: {  	[tilespmem:s19+$0xFFFFFFE0] =	vst v61;
	v37 =	vadd.f32 v63, v62;
	v61 =	vshll.u32 v48, $0x10;
	v62 =	vshll.u32 v43, $0x10;
	v38 =	vld.idx.msk [tilespmem:v38+s10+$0x0], $0xffff  }
0x87: {  	v35 =	vld.idx.msk [tilespmem:v4+s3+$0x0], $0xffff;
	v39 =	vadd.f32 v39, v60;
	v48 =	vand.u32 $0xFFFF0000, v48;
	v43 =	vand.u32 $0xFFFF0000, v43  }
0x88: {  	v63 =	vadd.f32 v62, v61;
	v43 =	vadd.f32 v43, v48;
	v48 =	vadd.s32 s25, v16;
	[tilespmem:s20+$0x30] =	vst v37;
	v37 =	vld.idx.msk [tilespmem:v15+s10+$0x0], $0xffff  }
0x89: {  	[tilespmem:s20+$0xB0] =	vst v39;
	v57 =	vshll.u32 v42, $0x10;
	v58 =	vand.u32 $0xFFFF0000, v47;
	v42 =	vand.u32 $0xFFFF0000, v42  }
0x8a: {  	[tilespmem:s20+$0xFFFFFF30] =	vst v63;
	v40 =	vld.idx.msk [tilespmem:v41+s3+$0x0], $0xffff;
	v61 =	vshll.u32 v56, $0x10;
	v54 =	vshll.u32 v47, $0x10;
	v60 =	vadd.f32 v42, v58  }
0x8b: {  	s31 =	sshll.u32 s17, $0xE;
	[tilespmem:s20+$0xFFFFFFB0] =	vst v43;
	v47 =	vadd.s32 s25, v9;
	v59 =	vadd.f32 v57, v54;
	v42 =	vld.idx.msk [tilespmem:v55+s10+$0x0], $0xffff;
	v62 =	vshll.u32 v38, $0x10  }
0x8c: {  	s28 =	simm.s32 $0x4;
	s24 =	sand.u32 $0x4000, s31;
	v63 =	vand.u32 $0xFFFF0000, v56;
	v41 =	vld.idx.msk [tilespmem:v49+s3+$0x0], $0xffff;
	v38 =	vand.u32 $0xFFFF0000, v38;
	v49 =	vadd.f32 v62, v61;
	[tilespmem:s19+$0xF0] =	vst v60  }
0x8d: {  	s29 =	simm.s32 $0x6;
	s26 =	sadd.s32 $0x200, s20;
	s24 =	sadd.s32 $0x6C00, s24;
	v43 =	vld.idx.msk [tilespmem:v50+s10+$0x0], $0xffff;
	v50 =	vadd.f32 v38, v63;
	v38 =	vshll.u32 v35, $0x10;
	v39 =	vshll.u32 v37, $0x10;
	[tilespmem:s19+$0x70] =	vst v59  }
.LBB2_3:
0x8e: {  	p1 =	slt.u32 s29, $0x3E;
	[tilespmem:s26+$0x0] =	vst v49;
	v38 =	vadd.f32 v39, v38;
	v35 =	vand.u32 $0xFFFF0000, v35;
	v37 =	vand.u32 $0xFFFF0000, v37  }
0x8f: {  	v39 =	vadd.f32 v45, v44;
	v44 =	vadd.s32 s22, v17;
	[tilespmem:s26+$0x80] =	vst v50;
	v35 =	vadd.f32 v37, v35  }
0x90: {  	v45 =	vshll.u32 v40, $0x10;
	[tilespmem:s26+$0xFFFFFF00] =	vst v46;
	v37 =	vld.idx.msk [tilespmem:v47+s3+$0x0], $0xffff;
	v46 =	vshll.u32 v42, $0x10;
	v47 =	vadd.s32 s22, v25  }
0x91: {  	v40 =	vand.u32 $0xFFFF0000, v40;
	v42 =	vand.u32 $0xFFFF0000, v42;
	[tilespmem:s26+$0xFFFFFF80] =	vst v39;
	v39 =	vld.idx.msk [tilespmem:v48+s10+$0x0], $0xffff;
	v45 =	vadd.f32 v46, v45  }
0x92: {  	v48 =	vshll.u32 v43, $0x10;
	v40 =	vadd.f32 v42, v40;
	v46 =	vld.idx.msk [tilespmem:v34+s3+$0x0], $0xffff;
	v34 =	vshll.u32 v41, $0x10;
	[tilespmem:s19+$0xFFFFFF70] =	vst v38  }
0x93: {  	v36 =	vld.idx.msk [tilespmem:v36+s10+$0x0], $0xffff;
	v38 =	vadd.f32 v48, v34;
	v34 =	vand.u32 $0xFFFF0000, v41;
	v41 =	vand.u32 $0xFFFF0000, v43;
	[tilespmem:s20+$0x40] =	vst v45  }
0x94: {  	v42 =	vadd.s32 s28, v1;
	v43 =	vadd.s32 s23, v30;
	v41 =	vadd.f32 v41, v34;
	[tilespmem:s20+$0xC0] =	vst v40  }
0x95: {  	v45 =	vadd.s32 s23, v29;
	v40 =	vadd.s32 s28, v8;
	v34 =	vadd.s32 s28, v11;
	[tilespmem:s20+$0xFFFFFF40] =	vst v38;
	v38 =	vld.idx.msk [tilespmem:v44+s3+$0x0], $0xffff  }
0x96: {  	v44 =	vadd.s32 s25, v13;
	[tilespmem:s20+$0xFFFFFFC0] =	vst v41;
	v41 =	vld.idx.msk [tilespmem:v47+s10+$0x0], $0xffff;
	v47 =	vadd.s32 s21, v3  }
0x97: {  	v50 =	vadd.s32 s25, v10;
	v48 =	vshll.u32 v37, $0x10;
	v49 =	vshll.u32 v39, $0x10;
	v32 =	vld.idx.msk [tilespmem:v32+s3+$0x0], $0xffff;
	[tilespmem:s19+$0xFFFFFFF0] =	vst v35;
	s19 =	smov.u32 s20;
	s20 =	smov.u32 s26  }
0x98: {  	v37 =	vand.u32 $0xFFFF0000, v37;
	v39 =	vand.u32 $0xFFFF0000, v39;
	v35 =	vadd.f32 v49, v48;
	v33 =	vld.idx.msk [tilespmem:v33+s10+$0x0], $0xffff  }
0x99: {  	v48 =	vshll.u32 v46, $0x10;
	v37 =	vadd.f32 v39, v37;
	v49 =	vshll.u32 v36, $0x10  }
0x9a: {  	v46 =	vand.u32 $0xFFFF0000, v46;
	v36 =	vand.u32 $0xFFFF0000, v36;
	v39 =	vadd.f32 v49, v48;
	[tilespmem:s26+$0x10] =	vst v35  }
0x9b: {  	v35 =	vadd.f32 v36, v46;
	v46 =	vadd.s32 s21, v7;
	[tilespmem:s26+$0x90] =	vst v37;
	v37 =	vadd.s32 s22, v5  }
0x9c: {  	v48 =	vadd.s32 s22, v6;
	v36 =	vshll.u32 v38, $0x10;
	[tilespmem:s26+$0xFFFFFF10] =	vst v39;
	v39 =	vld.idx.msk [tilespmem:v44+s3+$0x0], $0xffff;
	v44 =	vshll.u32 v41, $0x10  }
0x9d: {  	v38 =	vand.u32 $0xFFFF0000, v38;
	v41 =	vand.u32 $0xFFFF0000, v41;
	[tilespmem:s26+$0xFFFFFF90] =	vst v35;
	v35 =	vld.idx.msk [tilespmem:v50+s10+$0x0], $0xffff;
	v36 =	vadd.f32 v44, v36  }
0x9e: {  	v44 =	vshll.u32 v32, $0x10;
	v49 =	vshll.u32 v33, $0x10;
	v38 =	vadd.f32 v41, v38;
	v43 =	vld.idx.msk [tilespmem:v43+s3+$0x0], $0xffff  }
0x9f: {  	v32 =	vand.u32 $0xFFFF0000, v32;
	v33 =	vand.u32 $0xFFFF0000, v33;
	v44 =	vadd.f32 v49, v44;
	v41 =	vld.idx.msk [tilespmem:v45+s10+$0x0], $0xffff;
	[tilespmem:s19+$0x50] =	vst v36  }
0xa0: {  	v49 =	vadd.f32 v33, v32;
	v36 =	vadd.s32 s28, v31;
	v45 =	vadd.s32 s23, v20;
	[tilespmem:s19+$0xD0] =	vst v38  }
0xa1: {  	v51 =	vadd.s32 s23, v28;
	v50 =	vadd.s32 s23, v14;
	v38 =	vadd.s32 s23, v23;
	[tilespmem:s19+$0xFFFFFF50] =	vst v44;
	v37 =	vld.idx.msk [tilespmem:v37+s3+$0x0], $0xffff  }
0xa2: {  	v32 =	vadd.s32 s23, v22;
	v33 =	vadd.s32 s23, v26;
	v44 =	vadd.s32 s25, v19;
	[tilespmem:s19+$0xFFFFFFD0] =	vst v49;
	v48 =	vld.idx.msk [tilespmem:v48+s10+$0x0], $0xffff  }
0xa3: {  	v53 =	vadd.s32 s25, v21;
	v49 =	vshll.u32 v39, $0x10;
	v52 =	vshll.u32 v35, $0x10;
	v47 =	vld.idx.msk [tilespmem:v47+s3+$0x0], $0xffff  }
0xa4: {  	v39 =	vand.u32 $0xFFFF0000, v39;
	v35 =	vand.u32 $0xFFFF0000, v35;
	v49 =	vadd.f32 v52, v49;
	v46 =	vld.idx.msk [tilespmem:v46+s10+$0x0], $0xffff  }
0xa5: {  	v52 =	vshll.u32 v43, $0x10;
	v35 =	vadd.f32 v35, v39;
	v54 =	vshll.u32 v41, $0x10  }
0xa6: {  	v43 =	vand.u32 $0xFFFF0000, v43;
	v41 =	vand.u32 $0xFFFF0000, v41;
	v39 =	vld.idx.msk [tilespmem:v42+s3+$0x0], $0xffff;
	v42 =	vadd.f32 v54, v52;
	[tilespmem:s26+$0x20] =	vst v49  }
0xa7: {  	v41 =	vadd.f32 v41, v43;
	v43 =	vadd.s32 s21, v27;
	v40 =	vld.idx.msk [tilespmem:v40+s10+$0x0], $0xffff;
	[tilespmem:s26+$0xA0] =	vst v35;
	v35 =	vadd.s32 s22, v4  }
0xa8: {  	v52 =	vadd.s32 s22, v15;
	v49 =	vshll.u32 v48, $0x10;
	s22 =	smov.u32 s25;
	[tilespmem:s26+$0xFFFFFF20] =	vst v42;
	v42 =	vld.idx.msk [tilespmem:v44+s3+$0x0], $0xffff;
	v44 =	vshll.u32 v37, $0x10  }
0xa9: {  	s25 =	sadd.s32 $0x1, s29;
	v48 =	vand.u32 $0xFFFF0000, v48;
	v37 =	vand.u32 $0xFFFF0000, v37;
	[tilespmem:s26+$0xFFFFFFA0] =	vst v41;
	v41 =	vld.idx.msk [tilespmem:v53+s10+$0x0], $0xffff;
	v44 =	vadd.f32 v49, v44  }
0xaa: {  	v49 =	vadd.s32 s25, v0;
	v37 =	vadd.f32 v48, v37;
	v53 =	vld.idx.msk [tilespmem:v45+s3+$0x0], $0xffff;
	v45 =	vshll.u32 v47, $0x10  }
0xab: {  	v48 =	vadd.s32 s25, v2;
	v54 =	vshll.u32 v46, $0x10;
	v47 =	vand.u32 $0xFFFF0000, v47;
	v38 =	vld.idx.msk [tilespmem:v38+s10+$0x0], $0xffff;
	[tilespmem:s19+$0x60] =	vst v44  }
0xac: {  	v54 =	vadd.f32 v54, v45;
	v44 =	vand.u32 $0xFFFF0000, v46;
	[tilespmem:s19+$0xE0] =	vst v37;
	v37 =	vadd.s32 s21, v18;
	s21 =	smov.u32 s23;
	s23 =	smov.u32 s28;
	s28 =	smov.u32 s29  }
0xad: {  	v46 =	vshll.u32 v39, $0x10;
	v55 =	vshll.u32 v40, $0x10;
	v47 =	vadd.f32 v44, v47;
	v56 =	vld.idx.msk [tilespmem:v35+s3+$0x0], $0xffff  }
0xae: {  	v44 =	vand.u32 $0xFFFF0000, v39;
	v45 =	vand.u32 $0xFFFF0000, v40;
	v39 =	vadd.s32 s22, v12;
	[tilespmem:s19+$0xFFFFFF60] =	vst v54;
	v52 =	vld.idx.msk [tilespmem:v52+s10+$0x0], $0xffff  }
0xaf: {  	v35 =	vshll.u32 v42, $0x10;
	v40 =	vshll.u32 v41, $0x10;
	v54 =	vld.idx.msk [tilespmem:v49+s3+$0x0], $0xffff;
	v49 =	vadd.s32 s22, v24;
	[tilespmem:s19+$0xFFFFFFE0] =	vst v47  }
0xb0: {  	v41 =	vand.u32 $0xFFFF0000, v41;
	v40 =	vadd.f32 v40, v35;
	v35 =	vand.u32 $0xFFFF0000, v42;
	v57 =	vld.idx.msk [tilespmem:v48+s10+$0x0], $0xffff  }
0xb1: {  	v42 =	vshll.u32 v53, $0x10;
	v47 =	vshll.u32 v38, $0x10;
	v41 =	vadd.f32 v41, v35;
	v35 =	vld.idx.msk [tilespmem:v43+s3+$0x0], $0xffff  }
0xb2: {  	v38 =	vand.u32 $0xFFFF0000, v38;
	v42 =	vadd.f32 v47, v42;
	v43 =	vand.u32 $0xFFFF0000, v53;
	[tilespmem:s26+$0x30] =	vst v40;
	v37 =	vld.idx.msk [tilespmem:v37+s10+$0x0], $0xffff  }
0xb3: {  	v46 =	vadd.f32 v55, v46;
	v38 =	vadd.f32 v38, v43;
	[tilespmem:s26+$0xB0] =	vst v41;
	v41 =	vshll.u32 v56, $0x10  }
.Ltmp0:
0xb4: {  	v43 =	vand.u32 $0xFFFF0000, v56;
	v48 =	vand.u32 $0xFFFF0000, v52;
	[tilespmem:s26+$0xFFFFFF30] =	vst v42;
	v40 =	vld.idx.msk [tilespmem:v39+s3+$0x0], $0xffff;
	v39 =	vshll.u32 v52, $0x10;
	(pc) =	sbr.rel @p1 .LBB2_3-.Ltmp0, $4  }
0xb5: {  	v47 =	vadd.s32 s25, v9;
	[tilespmem:s26+$0xFFFFFFB0] =	vst v38;
	v42 =	vld.idx.msk [tilespmem:v49+s10+$0x0], $0xffff;
	v52 =	vadd.f32 v39, v41;
	v38 =	vadd.f32 v48, v43  }
0xb6: {  	v39 =	vshll.u32 v54, $0x10;
	v43 =	vshll.u32 v57, $0x10;
	v48 =	vadd.s32 s25, v16;
	v41 =	vld.idx.msk [tilespmem:v50+s3+$0x0], $0xffff  }
0xb7: {  	v49 =	vadd.f32 v43, v39;
	v39 =	vand.u32 $0xFFFF0000, v54;
	v50 =	vand.u32 $0xFFFF0000, v57;
	v43 =	vld.idx.msk [tilespmem:v51+s10+$0x0], $0xffff;
	[tilespmem:s19+$0xF0] =	vst v38  }
0xb8: {  	s29 =	sadd.s32 $0x2, s29;
	s26 =	sadd.s32 $0x200, s26;
	v50 =	vadd.f32 v50, v39;
	v38 =	vshll.u32 v35, $0x10;
	v39 =	vshll.u32 v37, $0x10;
	[tilespmem:s19+$0x70] =	vst v52  }
0xb9: {  	_ =	sdelay $0x1  }
0xba: {  	[tilespmem:s26+$0x0] =	vst v49  }
0xbb: {  	v0 =	vadd.f32 v45, v44;
	[tilespmem:s26+$0x80] =	vst v50  }
0xbc: {  	[tilespmem:s26+$0xFFFFFF00] =	vst v46;
	v1 =	vld.idx.msk [tilespmem:v47+s3+$0x0], $0xffff  }
0xbd: {  	v2 =	vld.idx.msk [tilespmem:v48+s10+$0x0], $0xffff;
	[tilespmem:s26+$0xFFFFFF80] =	vst v0  }
0xbe: {  	v0 =	vld.idx.msk [tilespmem:v34+s3+$0x0], $0xffff  }
0xbf: {  	v8 =	vld.idx.msk [tilespmem:v36+s10+$0x0], $0xffff;
	_ =	sdelay $0x1  }
0xc0: {  	v9 =	vadd.s32 s25, v13;
	v10 =	vadd.s32 s25, v10;
	v51 =	vadd.s32 s23, v30  }
0xc1: {  	v52 =	vadd.s32 s23, v29;
	v11 =	vshll.u32 v1, $0x10;
	v50 =	vshll.u32 v2, $0x10  }
0xc2: {  	v1 =	vand.u32 $0xFFFF0000, v1;
	v2 =	vand.u32 $0xFFFF0000, v2;
	v11 =	vadd.f32 v50, v11  }
0xc3: {  	v1 =	vadd.f32 v2, v1;
	v16 =	vshll.u32 v0, $0x10;
	v53 =	vshll.u32 v8, $0x10  }
0xc4: {  	v0 =	vand.u32 $0xFFFF0000, v0;
	v8 =	vand.u32 $0xFFFF0000, v8;
	v54 =	vadd.f32 v53, v16;
	[tilespmem:s26+$0x10] =	vst v11  }
0xc5: {  	v0 =	vadd.f32 v8, v0;
	[tilespmem:s26+$0x90] =	vst v1  }
0xc6: {  	v1 =	vld.idx.msk [tilespmem:v9+s3+$0x0], $0xffff;
	[tilespmem:s26+$0xFFFFFF10] =	vst v54  }
0xc7: {  	v55 =	vld.idx.msk [tilespmem:v10+s10+$0x0], $0xffff;
	[tilespmem:s26+$0xFFFFFF90] =	vst v0  }
0xc8: {  	v0 =	vld.idx.msk [tilespmem:v51+s3+$0x0], $0xffff  }
0xc9: {  	v2 =	vld.idx.msk [tilespmem:v52+s10+$0x0], $0xffff;
	_ =	sdelay $0x1  }
0xca: {  	v56 =	vadd.s32 s25, v19;
	v59 =	vadd.s32 s25, v21;
	v60 =	vadd.s32 s23, v20  }
0xcb: {  	v61 =	vadd.s32 s23, v23;
	v57 =	vshll.u32 v1, $0x10;
	v58 =	vshll.u32 v55, $0x10  }
0xcc: {  	v1 =	vand.u32 $0xFFFF0000, v1;
	v8 =	vand.u32 $0xFFFF0000, v55;
	v10 =	vadd.f32 v58, v57  }
0xcd: {  	v1 =	vadd.f32 v8, v1;
	v62 =	vshll.u32 v0, $0x10;
	v63 =	vshll.u32 v2, $0x10  }
0xce: {  	v0 =	vand.u32 $0xFFFF0000, v0;
	v2 =	vand.u32 $0xFFFF0000, v2;
	v19 =	vadd.f32 v63, v62;
	[tilespmem:s26+$0x20] =	vst v10  }
0xcf: {  	v0 =	vadd.f32 v2, v0;
	[tilespmem:s26+$0xA0] =	vst v1  }
0xd0: {  	v1 =	vld.idx.msk [tilespmem:v56+s3+$0x0], $0xffff;
	[tilespmem:s26+$0xFFFFFF20] =	vst v19  }
0xd1: {  	v20 =	vld.idx.msk [tilespmem:v59+s10+$0x0], $0xffff;
	[tilespmem:s26+$0xFFFFFFA0] =	vst v0  }
0xd2: {  	v0 =	vld.idx.msk [tilespmem:v60+s3+$0x0], $0xffff  }
0xd3: {  	v8 =	vld.idx.msk [tilespmem:v61+s10+$0x0], $0xffff;
	_ =	sdelay $0x1  }
0xd4: {  	v21 =	vadd.s32 s25, v12;
	v30 =	vadd.s32 s25, v24;
	v31 =	vadd.s32 s23, v14  }
0xd5: {  	v34 =	vadd.s32 s23, v28;
	v23 =	vshll.u32 v1, $0x10;
	v29 =	vshll.u32 v20, $0x10  }
0xd6: {  	v1 =	vand.u32 $0xFFFF0000, v1;
	v2 =	vand.u32 $0xFFFF0000, v20;
	v10 =	vadd.f32 v29, v23  }
0xd7: {  	v1 =	vadd.f32 v2, v1;
	v36 =	vshll.u32 v0, $0x10;
	v44 =	vshll.u32 v8, $0x10  }
0xd8: {  	v0 =	vand.u32 $0xFFFF0000, v0;
	v8 =	vand.u32 $0xFFFF0000, v8;
	v45 =	vadd.f32 v44, v36;
	[tilespmem:s26+$0x30] =	vst v10  }
0xd9: {  	v0 =	vadd.f32 v8, v0;
	[tilespmem:s26+$0xB0] =	vst v1  }
0xda: {  	v46 =	vadd.s32 s22, v17;
	v24 =	vadd.s32 s23, v22;
	v47 =	vld.idx.msk [tilespmem:v21+s3+$0x0], $0xffff;
	[tilespmem:s26+$0xFFFFFF30] =	vst v45  }
0xdb: {  	v49 =	vshll.u32 v42, $0x10;
	v48 =	vshll.u32 v40, $0x10;
	v28 =	vadd.s32 s23, v26;
	v51 =	vld.idx.msk [tilespmem:v30+s10+$0x0], $0xffff;
	[tilespmem:s26+$0xFFFFFFB0] =	vst v0  }
0xdc: {  	v50 =	vadd.s32 s22, v25;
	v53 =	vand.u32 $0xFFFF0000, v42;
	v52 =	vand.u32 $0xFFFF0000, v40;
	v11 =	vld.idx.msk [tilespmem:v31+s3+$0x0], $0xffff  }
0xdd: {  	v9 =	vadd.f32 v49, v48;
	v54 =	vshll.u32 v41, $0x10;
	v12 =	vadd.f32 v53, v52;
	v2 =	vld.idx.msk [tilespmem:v34+s10+$0x0], $0xffff  }
0xde: {  	v55 =	vshll.u32 v43, $0x10;
	v57 =	vand.u32 $0xFFFF0000, v43;
	v56 =	vand.u32 $0xFFFF0000, v41  }
0xdf: {  	[tilespmem:s20+$0x40] =	vst v9;
	v62 =	vadd.s32 s25, v25;
	v59 =	vadd.s32 s25, v17;
	v58 =	vadd.f32 v57, v56  }
0xe0: {  	[tilespmem:s20+$0xC0] =	vst v12;
	v0 =	vadd.f32 v55, v54;
	v60 =	vshll.u32 v47, $0x10;
	v61 =	vshll.u32 v51, $0x10  }
0xe1: {  	v63 =	vld.idx.msk [tilespmem:v50+s10+$0x0], $0xffff;
	[tilespmem:s20+$0xFFFFFFC0] =	vst v58;
	v8 =	vand.u32 $0xFFFF0000, v47;
	v10 =	vand.u32 $0xFFFF0000, v51;
	v13 =	vadd.f32 v61, v60  }
0xe2: {  	v1 =	vld.idx.msk [tilespmem:v46+s3+$0x0], $0xffff;
	[tilespmem:s20+$0xFFFFFF40] =	vst v0;
	v8 =	vadd.f32 v10, v8;
	v29 =	vshll.u32 v11, $0x10;
	v30 =	vshll.u32 v2, $0x10  }
0xe3: {  	v25 =	vld.idx.msk [tilespmem:v32+s3+$0x0], $0xffff;
	v11 =	vand.u32 $0xFFFF0000, v11;
	v2 =	vand.u32 $0xFFFF0000, v2;
	v16 =	vadd.f32 v30, v29;
	[tilespmem:s26+$0x40] =	vst v13  }
0xe4: {  	v48 =	vadd.s32 s25, v5;
	v52 =	vadd.s32 s25, v6;
	v31 =	vld.idx.msk [tilespmem:v33+s10+$0x0], $0xffff;
	v2 =	vadd.f32 v2, v11;
	[tilespmem:s26+$0xC0] =	vst v8  }
0xe5: {  	v43 =	vadd.s32 s21, v7;
	v41 =	vadd.s32 s22, v6;
	v34 =	vld.idx.msk [tilespmem:v59+s3+$0x0], $0xffff;
	[tilespmem:s26+$0xFFFFFF40] =	vst v16  }
0xe6: {  	v57 =	vadd.s32 s23, v7;
	v40 =	vshll.u32 v63, $0x10;
	v55 =	vadd.s32 s23, v3;
	v42 =	vld.idx.msk [tilespmem:v62+s10+$0x0], $0xffff;
	[tilespmem:s26+$0xFFFFFFC0] =	vst v2  }
0xe7: {  	v0 =	vand.u32 $0xFFFF0000, v63;
	v33 =	vadd.s32 s22, v5;
	v36 =	vshll.u32 v1, $0x10;
	v45 =	vld.idx.msk [tilespmem:v24+s3+$0x0], $0xffff  }
0xe8: {  	v32 =	vadd.s32 s21, v3;
	v1 =	vand.u32 $0xFFFF0000, v1;
	v12 =	vadd.f32 v40, v36;
	v47 =	vld.idx.msk [tilespmem:v28+s10+$0x0], $0xffff  }
0xe9: {  	v0 =	vadd.f32 v0, v1;
	v44 =	vshll.u32 v25, $0x10;
	v46 =	vshll.u32 v31, $0x10  }
0xea: {  	[tilespmem:s20+$0x50] =	vst v12;
	v10 =	vand.u32 $0xFFFF0000, v25;
	v13 =	vand.u32 $0xFFFF0000, v31;
	v9 =	vadd.f32 v46, v44  }
0xeb: {  	[tilespmem:s20+$0xD0] =	vst v0;
	v10 =	vadd.f32 v13, v10;
	v50 =	vshll.u32 v34, $0x10;
	v51 =	vshll.u32 v42, $0x10  }
0xec: {  	v49 =	vld.idx.msk [tilespmem:v33+s3+$0x0], $0xffff;
	[tilespmem:s20+$0xFFFFFF50] =	vst v9;
	v11 =	vand.u32 $0xFFFF0000, v34;
	v54 =	vand.u32 $0xFFFF0000, v42;
	v13 =	vadd.f32 v51, v50  }
0xed: {  	v53 =	vld.idx.msk [tilespmem:v41+s10+$0x0], $0xffff;
	[tilespmem:s20+$0xFFFFFFD0] =	vst v10;
	v56 =	vadd.f32 v54, v11;
	v58 =	vshll.u32 v45, $0x10;
	v59 =	vshll.u32 v47, $0x10  }
0xee: {  	v8 =	vld.idx.msk [tilespmem:v32+s3+$0x0], $0xffff;
	v1 =	vand.u32 $0xFFFF0000, v45;
	v12 =	vand.u32 $0xFFFF0000, v47;
	v11 =	vadd.f32 v59, v58;
	[tilespmem:s26+$0x50] =	vst v13  }
0xef: {  	v22 =	vadd.s32 s25, v4;
	v26 =	vadd.s32 s25, v15;
	v2 =	vld.idx.msk [tilespmem:v43+s10+$0x0], $0xffff;
	v1 =	vadd.f32 v12, v1;
	[tilespmem:s26+$0xD0] =	vst v56  }
0xf0: {  	v21 =	vadd.s32 s21, v18;
	v60 =	vadd.s32 s22, v4;
	v0 =	vld.idx.msk [tilespmem:v48+s3+$0x0], $0xffff;
	[tilespmem:s26+$0xFFFFFF50] =	vst v11  }
0xf1: {  	v61 =	vadd.s32 s21, v27;
	v25 =	vadd.s32 s23, v27;
	v33 =	vadd.s32 s23, v18;
	v6 =	vld.idx.msk [tilespmem:v52+s10+$0x0], $0xffff;
	[tilespmem:s26+$0xFFFFFFD0] =	vst v1  }
0xf2: {  	v16 =	vadd.s32 s22, v15;
	v62 =	vshll.u32 v49, $0x10;
	v63 =	vshll.u32 v53, $0x10;
	v3 =	vld.idx.msk [tilespmem:v55+s3+$0x0], $0xffff  }
0xf3: {  	v5 =	vand.u32 $0xFFFF0000, v49;
	v9 =	vand.u32 $0xFFFF0000, v53;
	v17 =	vadd.f32 v63, v62;
	v7 =	vld.idx.msk [tilespmem:v57+s10+$0x0], $0xffff  }
0xf4: {  	v5 =	vadd.f32 v9, v5;
	v19 =	vshll.u32 v8, $0x10;
	v20 =	vshll.u32 v2, $0x10  }
0xf5: {  	[tilespmem:s20+$0x60] =	vst v17;
	v8 =	vand.u32 $0xFFFF0000, v8;
	v2 =	vand.u32 $0xFFFF0000, v2;
	v9 =	vadd.f32 v20, v19  }
0xf6: {  	[tilespmem:s20+$0xE0] =	vst v5;
	v2 =	vadd.f32 v2, v8;
	v23 =	vshll.u32 v0, $0x10;
	v24 =	vshll.u32 v6, $0x10  }
0xf7: {  	v27 =	vld.idx.msk [tilespmem:v60+s3+$0x0], $0xffff;
	[tilespmem:s20+$0xFFFFFF60] =	vst v9;
	v0 =	vand.u32 $0xFFFF0000, v0;
	v6 =	vand.u32 $0xFFFF0000, v6;
	v4 =	vadd.f32 v24, v23  }
0xf8: {  	v29 =	vld.idx.msk [tilespmem:v16+s10+$0x0], $0xffff;
	[tilespmem:s20+$0xFFFFFFE0] =	vst v2;
	v28 =	vshll.u32 v3, $0x10;
	v0 =	vadd.f32 v6, v0;
	v30 =	vshll.u32 v7, $0x10  }
0xf9: {  	v31 =	vld.idx.msk [tilespmem:v61+s3+$0x0], $0xffff;
	v3 =	vand.u32 $0xFFFF0000, v3;
	v32 =	vand.u32 $0xFFFF0000, v7;
	v2 =	vadd.f32 v30, v28;
	[tilespmem:s26+$0x60] =	vst v4  }
0xfa: {  	v34 =	vld.idx.msk [tilespmem:v21+s10+$0x0], $0xffff;
	v36 =	vadd.f32 v32, v3;
	[tilespmem:s26+$0xE0] =	vst v0  }
0xfb: {  	v1 =	vld.idx.msk [tilespmem:v22+s3+$0x0], $0xffff;
	[tilespmem:s26+$0xFFFFFF60] =	vst v2  }
0xfc: {  	v39 =	vadd.f32 v39, v38;
	v40 =	vand.u32 $0xFFFF0000, v35;
	v41 =	vand.u32 $0xFFFF0000, v37;
	v42 =	vld.idx.msk [tilespmem:v26+s10+$0x0], $0xffff;
	[tilespmem:s26+$0xFFFFFFE0] =	vst v36  }
0xfd: {  	v43 =	vadd.f32 v41, v40;
	v46 =	vshll.u32 v27, $0x10;
	v47 =	vshll.u32 v29, $0x10;
	v5 =	vld.idx.msk [tilespmem:v25+s3+$0x0], $0xffff  }
0xfe: {  	[tilespmem:s19+$0xFFFFFF70] =	vst v39;
	v44 =	vand.u32 $0xFFFF0000, v27;
	v45 =	vand.u32 $0xFFFF0000, v29;
	v49 =	vadd.f32 v47, v46;
	v48 =	vld.idx.msk [tilespmem:v33+s10+$0x0], $0xffff  }
0xff: {  	[tilespmem:s19+$0xFFFFFFF0] =	vst v43;
	v3 =	vadd.f32 v45, v44;
	v50 =	vshll.u32 v31, $0x10;
	v51 =	vshll.u32 v34, $0x10  }
0x100: {  	[tilespmem:s20+$0x70] =	vst v49;
	v52 =	vand.u32 $0xFFFF0000, v31;
	v53 =	vand.u32 $0xFFFF0000, v34;
	v2 =	vadd.f32 v51, v50  }
0x101: {  	[tilespmem:s20+$0xF0] =	vst v3;
	v54 =	vadd.f32 v53, v52;
	v55 =	vand.u32 $0xFFFF0000, v1;
	v56 =	vand.u32 $0xFFFF0000, v42  }
0x102: {  	s31 =	sshll.u32 s17, $0xB;
	s17 =	sadd.s32 $0x1, s17;
	[tilespmem:s20+$0xFFFFFF70] =	vst v2;
	v1 =	vshll.u32 v1, $0x10;
	v57 =	vshll.u32 v42, $0x10;
	v3 =	vadd.f32 v56, v55  }
0x103: {  	p1 =	sne.s32 s17, $0x20;
	[tilespmem:s20+$0xFFFFFFF0] =	vst v54;
	v58 =	vadd.f32 v57, v1;
	v59 =	vshll.u32 v5, $0x10;
	v60 =	vshll.u32 v48, $0x10  }
.Ltmp1:
0x104: {  	v61 =	vand.u32 $0xFFFF0000, v5;
	v62 =	vand.u32 $0xFFFF0000, v48;
	v1 =	vadd.f32 v60, v59;
	[tilespmem:s26+$0xF0] =	vst v3;
	(pc) =	sbr.rel @p1 .LBB2_2-.Ltmp1, $4  }
0x105: {  	s19 =	sand.u32 $0x8000, s31;
	v63 =	vadd.f32 v62, v61;
	[tilespmem:s26+$0x70] =	vst v58  }
0x106: {  	s18 =	sand.u32 $0x780, s18;
	s19 =	sadd.s32 s19, s7;
	[tilespmem:s26+$0xFFFFFF70] =	vst v1  }
0x107: {  	p0 =	por !p0, !p0;
	s18 =	sadd.s32 s18, s19;
	[tilespmem:s26+$0xFFFFFFF0] =	vst v63  }
0x108: {  	[hbm4b:s18+s14] =	stream.strided.scatter [tilespmem:s24], [sflag:$0x1], $0x4000, s15, s14, $0x38;
	[tilespmem:$0xEC00] =	vst v63  }
0x109: {  	s16 =	sadd.s32 $0x1, s16  }
0x10a: {  	_ =	swait.ge [sflag:s13], $0x4000;
	p0 =	sne.s32 s16, s8  }
.Ltmp2:
0x10b: {  	[sflag:s13] =	ssyncset.done $0x0;
	(pc) =	sbr.rel @p0 .LBB2_1-.Ltmp2, $4  }
0x10c: {  	[sflag:s13] =	ssyncadd.s32 $0xFFFFC000  }
0x10d: {  	_ =	swait.ge [sflag:s13], $0x4000  }
0x10e: {  	[sflag:s13] =	ssyncset.done $0x0  }
0x10f: {  	[sflag:s13] =	ssyncadd.s32 $0xFFFFC000  }
0x110: {  	_ =	sfence.sel $0x180000  }
0x111: {  	[bflag:$0x0] =	sbarrier.arrive $0xFFFF  }
0x112: {  	p0 =	sne.s32 s1, $0x0;
	_ =	strace $0x90000047  }
0x113: {  	s0 =	sadd.s32 @!p0 $0x100000, s0;
	[bflag:$0x2] =	sbarrier.arrive $0xFFFF  }
0x114: {  	[sflag:s0] =	ssyncadd.tile.s32 @!p0 $0x1;
	_ =	shalt  }
.Lfunc_end2:
_tile_overlayer_lowered:
.L_overlay_start_2:
0x115: {  	(tag) =	ssettag $0x2  }
0x116: {  	s0 =	rddreg [dreg:$0x0];
	s2 =	stileid.u32  }
0x117: {  	s1 =	rddreg [dreg:$0x1];
	p0 =	sne.s32 s2, $0x0  }
0x118: {  	s3 =	rddreg [dreg:$0x2];
	[bflag:$0x3] =	sbarrier.arrive $0xFFFF;
	s2 =	simm.s32 @!p0 $0x1C02  }
0x119: {  	[timem:s3], [sflag:s2] =	dma.local @!p0 [hbm:s0], s1  }
0x11a: {  	s0 =	simm.s32 @!p0 $0x2  }
0x11b: {  	_ =	swait.ge @!p0 [sflag:s0], s1  }
0x11c: {  	s1 =	ssub.s32 @!p0 $0x0, s1;
	[sflag:s0] =	ssyncset.done @!p0 $0x0  }
0x11d: {  	[sflag:s0] =	ssyncadd.s32 @!p0 s1  }
0x11e: {  	[bflag:$0x3] =	sbarrier.arrive $0xFFFF  }
0x11f: {  	_ =	shalt  }

// kernel: sparse-core-data-format-call.cloned.1.call-start
scs
called_computation_lowered:
.L_overlay_start_0:
0x0: {  	s2 =	sld [smem:$0x3FD9]  }
0x1: {  	s3 =	sld [smem:$0x3FFE];
	_ =	sdelay $0x1  }
0x2: {  	s1 =	srdreg.scid  }
0x3: {  	s0 =	sand.u32 $0x1, s1  }
0x4: {  	s18 =	sshll.u32 s0, $0xA;
	s2 =	sadd.s32 s3, s2  }
0x5: {  	s2 =	sadd.s32 s2, s18  }
0x6: {  	[smem:$0x3FC5] =	sst s2  }
0x7: {  	_ = 	snop  }
0x8: {  	s2 =	sld [smem:$0x3FD0];
	(tm) =	ssettm $0x1  }
0x9: {  	s19 =	sld [smem:$0x3FFB];
	_ =	sdelay $0x3  }
0xa: {  	_ =	strace s19  }
0xb: {  	s3 =	sld [smem:$0x3FFC];
	_ =	sdelay $0x3  }
0xc: {  	_ =	strace s3  }
0xd: {  	s3 =	sld [smem:$0x3FFD];
	_ =	sdelay $0x3  }
0xe: {  	_ =	strace s3  }
0xf: {  	_ =	strace $0x8FFFFFFF  }
0x10: {  	s20 =	sld [smem:$0x3FDB];
	_ =	sdelay $0x1  }
0x11: {  	s4 =	simm.s32 $_scs_section_size  }
0x12: {  	s5 =	simm.s32 $_size__tile_overlayer_lowered;
	s6 =	simm.s32 $_tile_overlayer_lowered  }
0x13: {  	s23 =	simm.s32 $0x1BFF;
	s22 =	sshll.u32 s6, $0x1;
	s3 =	sadd.s32 s4, s20  }
0x14: {  	s7 =	simm.s32 $0x0;
	s21 =	sshll.u32 s5, $0x1;
	s5 =	sadd.s32 s22, s3  }
0x15: {  	[timem:s7], [sflag:s23] =	dma.local [hbm:s5], s21  }
0x16: {  	_ =	swait.ge [sflag:s23], s21  }
0x17: {  	s4 =	ssub.s32 $0x0, s21;
	[sflag:s23] =	ssyncset.done $0x0  }
0x18: {  	[sflag:s23] =	ssyncadd.s32 s4;
	_ =	sdelay $0x1  }
0x19: {  	s24 =	simm.s32 $0x1B8B  }
0x1a: {  	_ =	swait.ge [sflag:s24], $0x1  }
0x1b: {  	[sflag:s24] =	ssyncset.done $0x0  }
0x1c: {  	s26 =	simm.s32 $0x1B8E;
	s25 =	sld [smem:$0x3FFE];
	[sflag:s24] =	ssyncadd.s32 $0xFFFFFFFF  }
0x1d: {  	s27 =	simm.s32 $execute0_lowered;
	[smem:$0x3FD2] =	sst s26  }
0x1e: {  	s5 =	sshll.u32 s27, $0x1;
	_ =	strace $0x80000049;
	[dreg:$0x1] =	wrdreg $0xFFFFFFFF  }
0x1f: {  	s28 =	simm.s32 $_size_execute0_lowered;
	s3 =	sadd.s32 s3, s5;
	[dreg:$0x0] =	wrdreg $0x0  }
0x20: {  	s5 =	sshll.u32 s28, $0x1;
	[dreg:$0x2] =	wrdreg s3  }
0x21: {  	[dreg:$0x3] =	wrdreg s5  }
0x22: {  	[dreg:$0x4] =	wrdreg $0xC0  }
0x23: {  	_ =	task [dreg:s7], $0x5FFFF  }
0x24: {  	[dreg:$0x1] =	wrdreg $0xFFFFFFFF  }
0x25: {  	[dreg:$0x0] =	wrdreg $0x60  }
0x26: {  	[dreg:$0x2] =	wrdreg s25  }
0x27: {  	[dreg:$0x3] =	wrdreg s2  }
0x28: {  	[dreg:$0x4] =	wrdreg $0x9  }
0x29: {  	_ =	task.clear_ibuf [dreg:s7], $0x5FFFF;
	_ =	strace $0x90000049  }
0x2a: {  	s29 =	simm.s32 $0x9;
	_ =	strace $0x8000004B  }
0x2b: {  	_ =	swait.ge [sflag:s29], $0x1  }
0x2c: {  	[sflag:s29] =	ssyncadd.s32 $0xFFFFFFFF  }
0x2d: {  	_ =	strace $0x9000004B  }
0x2e: {  	_ =	sfence  }
0x2f: {  	s30 =	sld [smem:$0x0];
	_ =	sdelay $0x2  }
0x30: {  	s31 =	sshll.u32 s1, $0xD;
	s1 =	sshrl.u32 s1, $0x2  }
0x31: {  	s3 =	sand.u32 $0x4000, s31;
	s1 =	sadd.s32 s1, s30  }
0x32: {  	s0 =	sor.u32 s3, s0;
	s1 =	sshll.u32 s1, $0x11  }
0x33: {  	s0 =	sor.u32 s1, s0  }
0x34: {  	s0 =	sadd.s32 $0x8F2B, s0  }
0x35: {  	[sflag:s0] =	ssyncadd.remote.s32 $0x1  }
0x36: {  	_ =	sfence.sel $0xFFFF  }
0x37: {  	[dreg:$0x0] =	wrdreg $0xFFFFFFFF;
	(pc) =	sbr.abs _section_cstart, $3  }
0x38: {  	[dreg:$0x1] =	wrdreg $0xFFFFFFFF  }
0x39: {  	_ =	task.clear_ibuf [dreg:s7], $0x2FFFF;
	_ =	strace $0x9FFFFFFF  }
0x3a: {  	(tm) =	ssettm $0x7FFFFFFF  }
0x3b: {  	_ =	shalt  }
tec
execute0_lowered:
.L_overlay_start_1:
0x0: {  	(tag) =	ssettag $0x1  }
0x1: {  	s4 =	rddreg [dreg:$0x0]  }
0x2: {  	s2 =	rddreg [dreg:$0x1]  }
0x3: {  	s0 =	rddreg [dreg:$0x2];
	_ =	strace $0x8000004A  }
0x4: {  	s3 =	srdreg.scid;
	s1 =	stileid.u32;
	s6 =	simm.s32 $0x2  }
.Ltmp0:
0x5: {  	p0 =	por $0x0, $0x0;
	s10 =	simm.s32 $0x0;
	(pc) =	sbr.rel .LBB1_1-.Ltmp0, $4  }
0x6: {  	s11 =	simm.s32 $0x0;
	s8 =	simm.s32 $0x0;
	s5 =	sshll.u32 s3, $0x4  }
0x7: {  	s7 =	simm.s32 $0x0;
	s3 =	simm.s32 $0x1;
	s5 =	sand.u32 $0x10, s5  }
0x8: {  	s4 =	sadd.s32 $0x4C00, s4;
	[sflag:s3] =	ssyncpa.u1 $0x0;
	s5 =	sor.u32 s1, s5  }
0x9: {  	[sflag:s6] =	ssyncpa.u1 $0x0;
	s6 =	simm.s32 $0x0;
	s9 =	smov.u32 s5  }
.LBB1_7:
0xa: {  	s12 =	sadd.s32 $0x8, s8  }
0xb: {  	s10 =	sadd.s32 $0x20, s9;
	s14 =	smov.u32 s9;
	p2 =	sgt.s32 s12, $0x7F  }
0xc: {  	p1 =	slt.u32 s7, $0x2;
	s14 =	smov.u32 @p2 s10  }
0xd: {  	s7 =	sadd.s32 $0x1, s7;
	s12 =	simm.s32 @p2 $0x0;
	p2 =	sgt.s32 s14, $0x3F  }
0xe: {  	s14 =	smov.u32 @p2 s5;
	p2 =	sne.s32 s7, $0x22  }
.Ltmp1:
0xf: {  	_ = 	snop;
	(pc) =	sbr.rel @!p2 .LBB1_8-.Ltmp1, $4  }
0x10: {  	s13 =	simm.s32 @!p1 $0x2  }
0x11: {  	s11 =	smov.u32 s9;
	_ =	swait.ge @!p1 [sflag:s13], $0x4000  }
0x12: {  	p0 =	por !p0, !p0;
	s10 =	smov.u32 s8;
	[sflag:s13] =	ssyncset.done @!p1 $0x0  }
0x13: {  	s8 =	smov.u32 s12;
	[sflag:s13] =	ssyncadd.s32 @!p1 $0xFFFFC000;
	s9 =	smov.u32 s14  }
.LBB1_1:
0x14: {  	p1 =	sgt.u32 s7, $0x1F  }
0x15: {  	s12 =	sxor.u32 @!p1 $0xFFFFFFFF, s7;
	s13 =	sshll.u32 @!p1 s9, $0xF;
	s14 =	sshll.u32 @!p1 s8, $0x8  }
0x16: {  	s15 =	sshll.u32 @!p1 s8, $0x4;
	s14 =	sand.u32 @!p1 $0x7800, s14;
	s13 =	sadd.s32 @!p1 s4, s13  }
0x17: {  	s12 =	sshll.u32 @!p1 s12, $0xE;
	s15 =	sand.u32 @!p1 $0x70, s15;
	s13 =	sadd.s32 @!p1 s14, s13  }
0x18: {  	s12 =	sand.u32 @!p1 $0x4000, s12;
	s14 =	simm.s32 @!p1 $0x0;
	s13 =	sadd.s32 @!p1 s15, s13  }
0x19: {  	[tilespmem:s12], [sflag:$0x1] =	stream.linear.gather @!p1 [hbm4b:s13+s14], $0x4000, $0x38;
	[tilespmem:$0x10000] =	vst v63  }
0x1a: {  	p1 =	seq.s32 s7, $0x0  }
0x1b: {  	p2 =	seq.s32 @!p1 s7, $0x21  }
0x1c: {  	p1 =	por p1, p2  }
.Ltmp2:
0x1d: {  	_ = 	snop;
	(pc) =	sbr.rel @p1 .LBB1_7-.Ltmp2, $1  }
0x1e: {  	_ =	sdelay $0x3  }
0x1f: {  	s12 =	simm.s32 $0x1;
	_ =	swait.ge [sflag:s3], $0x4000;
	s15 =	sshll.u32 s7, $0xE  }
0x20: {  	s12 =	simm.s32 @!p0 $0x0;
	[sflag:s3] =	ssyncset.done $0x0;
	s31 =	sand.u32 $0x4000, s15  }
0x21: {  	s15 =	simm.s32 $0x0;
	s13 =	sshll.u32 s12, $0xE;
	[sflag:s3] =	ssyncadd.s32 $0xFFFFC000  }
0x22: {  	s12 =	sor.u32 $0x8100, s13;
	s14 =	sor.u32 $0x800, s13;
	s13 =	sor.u32 $0x8000, s31  }
.LBB1_3:
0x23: {  	v0 =	vld [tilespmem:s14+$0x470]  }
0x24: {  	v1 =	vld [tilespmem:s14+$0xFFFFF810]  }
0x25: {  	v2 =	vld [tilespmem:s14+$0xFFFFF820]  }
0x26: {  	v3 =	vld [tilespmem:s14+$0xFFFFF830]  }
0x27: {  	v4 =	vld [tilespmem:s14+$0xFFFFF840]  }
0x28: {  	v5 =	vld [tilespmem:s14+$0xFFFFF850];
	[tilespmem:s12+$0xF0] =	vst v0  }
0x29: {  	[tilespmem:s12+$0xFFFFFF10] =	vst v1;
	v0 =	vld [tilespmem:s14+$0xFFFFF860]  }
0x2a: {  	[tilespmem:s12+$0xFFFFFF20] =	vst v2;
	v1 =	vld [tilespmem:s14+$0xFFFFF870]  }
0x2b: {  	[tilespmem:s12+$0xFFFFFF30] =	vst v3;
	v2 =	vld [tilespmem:s14+$0xFFFFFC00]  }
0x2c: {  	[tilespmem:s12+$0xFFFFFF40] =	vst v4;
	v3 =	vld [tilespmem:s14+$0xFFFFFC10]  }
0x2d: {  	[tilespmem:s12+$0xFFFFFF50] =	vst v5;
	v4 =	vld [tilespmem:s14+$0xFFFFFC20]  }
0x2e: {  	v5 =	vld [tilespmem:s14+$0x420];
	[tilespmem:s12+$0xFFFFFF60] =	vst v0  }
0x2f: {  	v0 =	vld [tilespmem:s14+$0xFFFFFC30];
	[tilespmem:s12+$0xFFFFFF70] =	vst v1  }
0x30: {  	v1 =	vld [tilespmem:s14+$0xFFFFFC40];
	[tilespmem:s12+$0xFFFFFF80] =	vst v2  }
0x31: {  	[tilespmem:s12+$0xFFFFFF90] =	vst v3;
	v3 =	vld [tilespmem:s14+$0xFFFFFC60]  }
0x32: {  	[tilespmem:s12+$0xFFFFFFA0] =	vst v4;
	v4 =	vld [tilespmem:s14+$0xFFFFFC70]  }
0x33: {  	v2 =	vld [tilespmem:s14+$0xFFFFFC50];
	[tilespmem:s12+$0xA0] =	vst v5  }
0x34: {  	[tilespmem:s12+$0xFFFFFFB0] =	vst v0;
	v0 =	vld [tilespmem:s14+$0x0]  }
0x35: {  	[tilespmem:s12+$0xFFFFFFC0] =	vst v1;
	v1 =	vld [tilespmem:s14+$0x10]  }
0x36: {  	[tilespmem:s12+$0xFFFFFFE0] =	vst v3;
	v3 =	vld [tilespmem:s14+$0x30]  }
0x37: {  	[tilespmem:s12+$0xFFFFFFF0] =	vst v4;
	v4 =	vld [tilespmem:s14+$0x40]  }
0x38: {  	[tilespmem:s12+$0xFFFFFFD0] =	vst v2;
	v2 =	vld [tilespmem:s14+$0x20]  }
0x39: {  	[tilespmem:s12+$0x0] =	vst v0;
	v0 =	vld [tilespmem:s14+$0x50]  }
0x3a: {  	[tilespmem:s12+$0x10] =	vst v1;
	v1 =	vld [tilespmem:s14+$0x60]  }
0x3b: {  	[tilespmem:s12+$0x30] =	vst v3;
	v3 =	vld [tilespmem:s14+$0x400]  }
0x3c: {  	[tilespmem:s12+$0x40] =	vst v4;
	v4 =	vld [tilespmem:s14+$0x410]  }
0x3d: {  	[tilespmem:s12+$0x20] =	vst v2;
	v2 =	vld [tilespmem:s14+$0x70]  }
0x3e: {  	[tilespmem:s12+$0x50] =	vst v0;
	v0 =	vld [tilespmem:s14+$0x430]  }
0x3f: {  	[tilespmem:s12+$0x60] =	vst v1;
	v1 =	vld [tilespmem:s14+$0x440]  }
0x40: {  	[tilespmem:s12+$0x80] =	vst v3;
	v3 =	vld [tilespmem:s14+$0x450]  }
0x41: {  	[tilespmem:s12+$0x90] =	vst v4;
	v4 =	vld [tilespmem:s14+$0x460]  }
0x42: {  	s17 =	simm.s32 $0x0;
	s18 =	sadd.s32 $0x1000, s14;
	s16 =	smov.u32 s12;
	[tilespmem:s12+$0x70] =	vst v2;
	v2 =	vld [tilespmem:s14+$0xFFFFF800]  }
.LBB1_4:
0x43: {  	v5 =	vld [tilespmem:s18+$0x470];
	s17 =	sadd.s32 $0x200, s17;
	[tilespmem:s16+$0xB0] =	vst v0  }
0x44: {  	v0 =	vld [tilespmem:s18+$0xFFFFF810];
	p1 =	slt.u32 s17, $0x600;
	[tilespmem:s16+$0xC0] =	vst v1  }
0x45: {  	v1 =	vld [tilespmem:s18+$0xFFFFF820];
	[tilespmem:s16+$0xD0] =	vst v3  }
0x46: {  	v3 =	vld [tilespmem:s18+$0xFFFFF830];
	[tilespmem:s16+$0xE0] =	vst v4  }
0x47: {  	v4 =	vld [tilespmem:s18+$0xFFFFF840];
	[tilespmem:s16+$0xFFFFFF00] =	vst v2;
	s16 =	sadd.s32 $0x200, s16  }
0x48: {  	v2 =	vld [tilespmem:s18+$0xFFFFF850];
	[tilespmem:s16+$0xF0] =	vst v5  }
0x49: {  	[tilespmem:s16+$0xFFFFFF10] =	vst v0;
	v0 =	vld [tilespmem:s18+$0xFFFFF860]  }
0x4a: {  	[tilespmem:s16+$0xFFFFFF20] =	vst v1;
	v1 =	vld [tilespmem:s18+$0xFFFFF870]  }
0x4b: {  	[tilespmem:s16+$0xFFFFFF30] =	vst v3;
	v3 =	vld [tilespmem:s18+$0xFFFFFC00]  }
0x4c: {  	[tilespmem:s16+$0xFFFFFF40] =	vst v4;
	v4 =	vld [tilespmem:s18+$0xFFFFFC10]  }
0x4d: {  	[tilespmem:s16+$0xFFFFFF50] =	vst v2;
	v2 =	vld [tilespmem:s18+$0xFFFFFC20]  }
0x4e: {  	[tilespmem:s16+$0xFFFFFF60] =	vst v0;
	v0 =	vld [tilespmem:s18+$0xFFFFFC30]  }
0x4f: {  	[tilespmem:s16+$0xFFFFFF70] =	vst v1;
	v1 =	vld [tilespmem:s18+$0xFFFFFC40]  }
0x50: {  	[tilespmem:s16+$0xFFFFFF80] =	vst v3;
	v3 =	vld [tilespmem:s18+$0xFFFFFC50]  }
0x51: {  	[tilespmem:s16+$0xFFFFFF90] =	vst v4;
	v4 =	vld [tilespmem:s18+$0xFFFFFC60]  }
0x52: {  	[tilespmem:s16+$0xFFFFFFA0] =	vst v2;
	v2 =	vld [tilespmem:s18+$0xFFFFFC70]  }
0x53: {  	[tilespmem:s16+$0xFFFFFFB0] =	vst v0;
	v0 =	vld [tilespmem:s18+$0x0]  }
0x54: {  	[tilespmem:s16+$0xFFFFFFC0] =	vst v1;
	v1 =	vld [tilespmem:s18+$0x10]  }
0x55: {  	[tilespmem:s16+$0xFFFFFFD0] =	vst v3;
	v3 =	vld [tilespmem:s18+$0x20]  }
0x56: {  	[tilespmem:s16+$0xFFFFFFE0] =	vst v4;
	v4 =	vld [tilespmem:s18+$0x30]  }
0x57: {  	[tilespmem:s16+$0xFFFFFFF0] =	vst v2;
	v2 =	vld [tilespmem:s18+$0x40]  }
0x58: {  	[tilespmem:s16+$0x0] =	vst v0;
	v0 =	vld [tilespmem:s18+$0x50]  }
0x59: {  	[tilespmem:s16+$0x10] =	vst v1;
	v1 =	vld [tilespmem:s18+$0x60]  }
0x5a: {  	[tilespmem:s16+$0x20] =	vst v3;
	v3 =	vld [tilespmem:s18+$0x70]  }
0x5b: {  	[tilespmem:s16+$0x30] =	vst v4;
	v4 =	vld [tilespmem:s18+$0x400]  }
0x5c: {  	[tilespmem:s16+$0x40] =	vst v2;
	v2 =	vld [tilespmem:s18+$0x410]  }
0x5d: {  	[tilespmem:s16+$0x50] =	vst v0;
	v5 =	vld [tilespmem:s18+$0x420]  }
.Ltmp3:
0x5e: {  	[tilespmem:s16+$0x60] =	vst v1;
	v0 =	vld [tilespmem:s18+$0x430];
	(pc) =	sbr.rel @p1 .LBB1_4-.Ltmp3, $4  }
0x5f: {  	[tilespmem:s16+$0x70] =	vst v3;
	v1 =	vld [tilespmem:s18+$0x440]  }
0x60: {  	[tilespmem:s16+$0x80] =	vst v4;
	v3 =	vld [tilespmem:s18+$0x450]  }
0x61: {  	[tilespmem:s16+$0x90] =	vst v2;
	v4 =	vld [tilespmem:s18+$0x460]  }
0x62: {  	v2 =	vld [tilespmem:s18+$0xFFFFF800];
	[tilespmem:s16+$0xA0] =	vst v5;
	s18 =	sadd.s32 $0x1000, s18  }
0x63: {  	s15 =	sadd.s32 $0x1, s15  }
0x64: {  	p1 =	sne.s32 s15, $0x8  }
.Ltmp4:
0x65: {  	[tilespmem:s16+$0xB0] =	vst v0;
	(pc) =	sbr.rel @p1 .LBB1_3-.Ltmp4, $4  }
0x66: {  	[tilespmem:s16+$0xC0] =	vst v1  }
0x67: {  	[tilespmem:s16+$0xD0] =	vst v3  }
0x68: {  	[tilespmem:s16+$0xE0] =	vst v4  }
0x69: {  	s12 =	sadd.s32 $0x800, s12;
	s14 =	sadd.s32 $0x80, s14;
	[tilespmem:s16+$0xFFFFFF00] =	vst v2  }
.Ltmp5:
0x6a: {  	(pc) =	sbr.rel .LBB1_7-.Ltmp5, $4  }
0x6b: {  	s11 =	sshll.u32 s11, $0xF  }
0x6c: {  	s10 =	sshll.u32 s10, $0x8;
	s11 =	sadd.s32 s2, s11  }
0x6d: {  	s10 =	sadd.s32 s10, s11  }
0x6e: {  	[hbm4b:s10+s6] =	stream.linear.scatter [tilespmem:s13], [sflag:$0x2], $0x4000, $0x38;
	[tilespmem:$0x10000] =	vst v63  }
.LBB1_8:
0x6f: {  	_ =	sfence.sel $0x180000  }
0x70: {  	s2 =	simm.s32 $0x1;
	[bflag:$0x0] =	sbarrier.arrive $0xFFFF  }
0x71: {  	s31 =	simm.s32 $0x2;
	[sflag:s2] =	ssyncpa.u1 $0x1  }
0x72: {  	[sflag:s31] =	ssyncpa.u1 $0x1  }
0x73: {  	p0 =	sne.s32 s1, $0x0;
	_ =	strace $0x9000004A  }
0x74: {  	s0 =	sadd.s32 @!p0 $0x100000, s0;
	[bflag:$0x2] =	sbarrier.arrive $0xFFFF  }
0x75: {  	[sflag:s0] =	ssyncadd.tile.s32 @!p0 $0x1;
	_ =	shalt  }
.Lfunc_end1:
_tile_overlayer_lowered:
.L_overlay_start_2:
0x76: {  	(tag) =	ssettag $0x2  }
0x77: {  	s0 =	rddreg [dreg:$0x0];
	s2 =	stileid.u32  }
0x78: {  	s1 =	rddreg [dreg:$0x1];
	p0 =	sne.s32 s2, $0x0  }
0x79: {  	s3 =	rddreg [dreg:$0x2];
	[bflag:$0x3] =	sbarrier.arrive $0xFFFF;
	s2 =	simm.s32 @!p0 $0x1C01  }
0x7a: {  	[timem:s3], [sflag:s2] =	dma.local @!p0 [hbm:s0], s1  }
0x7b: {  	s0 =	simm.s32 @!p0 $0x1  }
0x7c: {  	_ =	swait.ge @!p0 [sflag:s0], s1  }
0x7d: {  	s1 =	ssub.s32 @!p0 $0x0, s1;
	[sflag:s0] =	ssyncset.done @!p0 $0x0  }
0x7e: {  	[sflag:s0] =	ssyncadd.s32 @!p0 s1  }
0x7f: {  	[bflag:$0x3] =	sbarrier.arrive $0xFFFF  }
0x80: {  	_ =	shalt  }

</sc_bundles>
